<compile_context>
chip_gen: v7x
topology: tpu7x:2x2x1
jax: 0.10.2.dev20260603
libtpu: 0.0.44.dev20260713+nightly
codegen_flags: <defaults>
</compile_context>

<pallas_src>
import functools

import jax
import jax.numpy as jnp
from jax import lax
from jax.experimental import pallas as pl
from jax.experimental.pallas import tpu as pltpu
from jax.experimental.pallas import tpu_sc as plsc

E = 8
TOP_K = 2
D = 1024
F = 512
FS = 1024
ROUTED_SCALE = 2.5

T = 2048
A = T * TOP_K
BLK = 128
NBLK = A // BLK + E
NSLOT = NBLK * BLK
TBLK = 256
NT = T // TBLK


def _inc_cumsum0(m):
    c = m
    d = 1
    while d < c.shape[0]:
        z = jnp.zeros((d, c.shape[1]), c.dtype)
        c = c + jnp.concatenate([z, c[:-d]], axis=0)
        d *= 2
    return c


def _col_to_2d(col, rows, lanes):
    n = col.shape[0]
    lane = lax.broadcasted_iota(jnp.int32, (n, lanes), 1)
    sub = lax.broadcasted_iota(jnp.int32, (n, lanes), 0)
    b = jnp.where(lane == sub % lanes, col, 0.0)
    return jnp.sum(b.reshape(rows, lanes, lanes), axis=1)


def _rows_to_col(w2):
    r = w2.shape[0]
    n = r * 128
    rep = jnp.broadcast_to(w2[:, None, :], (r, 128, 128)).reshape(n, 128)
    lane = lax.broadcasted_iota(jnp.int32, (n, 128), 1)
    sub = lax.broadcasted_iota(jnp.int32, (n, 128), 0)
    return jnp.sum(jnp.where(lane == sub % 128, rep, 0.0), axis=-1,
                   keepdims=True)


def _plan_body(x_ref, wr_ref, inv0_ref, inv1_ref, wt0_ref, wt1_ref,
               beid_ref):
    x = x_ref[...]
    logits = jnp.dot(x, wr_ref[...], preferred_element_type=jnp.float32)
    s = jax.nn.softmax(logits, axis=-1)
    lane8 = lax.broadcasted_iota(jnp.int32, s.shape, 1)
    m1 = jnp.max(s, axis=-1, keepdims=True)
    i1 = jnp.min(jnp.where(s == m1, lane8, E), axis=-1, keepdims=True)
    oh1 = (lane8 == i1).astype(jnp.float32)
    s2 = jnp.where(lane8 == i1, -jnp.inf, s)
    m2 = jnp.max(s2, axis=-1, keepdims=True)
    i2 = jnp.min(jnp.where(s2 == m2, lane8, E), axis=-1, keepdims=True)
    oh2 = (lane8 == i2).astype(jnp.float32)
    v1 = jnp.sum(s * oh1, axis=-1, keepdims=True)
    v2 = jnp.sum(s * oh2, axis=-1, keepdims=True)

    inc1 = _inc_cumsum0(oh1)
    inc2 = _inc_cumsum0(oh2)
    exc1 = inc1 - oh1
    exc2 = inc2 - oh2
    cnt1 = inc1[T - 1:T, :]
    cnt2 = inc2[T - 1:T, :]
    cnt = cnt1 + cnt2
    nb = jnp.ceil(cnt * (1.0 / BLK))
    ii = lax.broadcasted_iota(jnp.int32, (E, E), 0)
    jj = lax.broadcasted_iota(jnp.int32, (E, E), 1)
    tri = (ii <= jj).astype(jnp.float32)
    bcum = jnp.dot(nb, tri)
    boff = bcum - nb
    soff = boff * float(BLK)

    soff1 = jnp.sum(oh1 * soff, axis=-1, keepdims=True)
    soff2 = jnp.sum(oh2 * (soff + cnt1), axis=-1, keepdims=True)
    rank1 = jnp.sum(oh1 * exc1, axis=-1, keepdims=True)
    rank2 = jnp.sum(oh2 * exc2, axis=-1, keepdims=True)
    slot0 = soff1 + rank1
    slot1 = soff2 + rank2

    inv0_ref[...] = _col_to_2d(slot0, T // 128, 128).astype(jnp.int32)
    inv1_ref[...] = _col_to_2d(slot1, T // 128, 128).astype(jnp.int32)
    wt0_ref[...] = v1 * ROUTED_SCALE
    wt1_ref[...] = v2 * ROUTED_SCALE

    biota = lax.broadcasted_iota(jnp.int32, (1, 128), 1).astype(jnp.float32)
    acc = jnp.zeros((1, 128), jnp.float32)
    for e in range(E):
        bce = jnp.sum(jnp.where(lane8[:1] == e, bcum, 0.0))
        acc = acc + (biota >= bce).astype(jnp.float32)
    beid_ref[...] = jnp.minimum(acc, float(E - 1)).astype(jnp.int32)


def _gemm_body(beid_ref, sg_ref, su_ref, sd_ref, xs_ref, wg_ref, wu_ref,
               wd_ref, ys_ref):
    b = pl.program_id(0)
    e = beid_ref[b]
    xb = xs_ref[...].astype(jnp.bfloat16)
    wg = wg_ref[0].astype(jnp.bfloat16)
    wu = wu_ref[0].astype(jnp.bfloat16)
    wd = wd_ref[0].astype(jnp.bfloat16)
    g = jnp.dot(xb, wg, preferred_element_type=jnp.float32) * sg_ref[e]
    u = jnp.dot(xb, wu, preferred_element_type=jnp.float32) * su_ref[e]
    h = (jax.nn.silu(g) * u).astype(jnp.bfloat16)
    ys_ref[...] = (jnp.dot(h, wd, preferred_element_type=jnp.float32)
                   * sd_ref[e])


def _comb_body(x_ref, wg_ref, wu_ref, wd_ref, y0_ref, y1_ref, wt0_ref,
               wt1_ref, out_ref):
    x = x_ref[...].astype(jnp.bfloat16)
    g = jnp.dot(x, wg_ref[...].astype(jnp.bfloat16),
                preferred_element_type=jnp.float32)
    u = jnp.dot(x, wu_ref[...].astype(jnp.bfloat16),
                preferred_element_type=jnp.float32)
    h = (jax.nn.silu(g) * u).astype(jnp.bfloat16)
    sh = jnp.dot(h, wd_ref[...].astype(jnp.bfloat16),
                 preferred_element_type=jnp.float32)
    out_ref[...] = sh + wt0_ref[...] * y0_ref[...] + wt1_ref[...] * y1_ref[...]


def _sc_info():
    info = plsc.get_sparse_core_info()
    return info.num_cores, info.num_subcores


def _make_sc_scatter():
    nc, ns = _sc_info()
    nw = nc * ns
    tpw = T // nw
    mesh = plsc.VectorSubcoreMesh(core_axis_name="c", subcore_axis_name="s")

    @functools.partial(
        pl.kernel, mesh=mesh,
        out_type=jax.ShapeDtypeStruct((NSLOT, D), jnp.float32),
        scratch_types=[
            pltpu.VMEM((tpw,), jnp.int32),
            pltpu.VMEM((tpw,), jnp.int32),
            pltpu.VMEM((tpw, D), jnp.float32),
            pltpu.SemaphoreType.DMA,
            pltpu.SemaphoreType.DMA,
        ],
    )
    def sc_scatter(x_hbm, inv0_hbm, inv1_hbm, xs_hbm, idx0_v, idx1_v,
                   rows_v, sem, sem2):
        wid = lax.axis_index("s") * nc + lax.axis_index("c")
        base = wid * tpw
        ld = pltpu.async_copy(x_hbm.at[pl.ds(base, tpw)], rows_v, sem2)
        pltpu.sync_copy(inv0_hbm.at[pl.ds(base, tpw)], idx0_v)
        pltpu.sync_copy(inv1_hbm.at[pl.ds(base, tpw)], idx1_v)
        ld.wait()
        c0 = pltpu.async_copy(rows_v, xs_hbm.at[idx0_v], sem)
        c1 = pltpu.async_copy(rows_v, xs_hbm.at[idx1_v], sem)
        c0.wait()
        c1.wait()

    return sc_scatter


def _make_sc_gather():
    nc, ns = _sc_info()
    nw = nc * ns
    apw = T // nw
    mesh = plsc.VectorSubcoreMesh(core_axis_name="c", subcore_axis_name="s")

    ch = apw // 2

    @functools.partial(
        pl.kernel, mesh=mesh,
        out_type=jax.ShapeDtypeStruct((A, D), jnp.float32),
        scratch_types=[
            pltpu.VMEM((ch,), jnp.int32),
            pltpu.VMEM((ch,), jnp.int32),
            pltpu.VMEM((ch,), jnp.int32),
            pltpu.VMEM((ch,), jnp.int32),
            pltpu.VMEM((ch, D), jnp.float32),
            pltpu.VMEM((ch, D), jnp.float32),
            pltpu.SemaphoreType.DMA,
            pltpu.SemaphoreType.DMA,
            pltpu.SemaphoreType.DMA,
        ],
    )
    def sc_gather(ys_hbm, inv0_hbm, inv1_hbm, ytm_hbm, ia_v, ib_v, ic_v,
                  id_v, rows0_v, rows1_v, sg, so0, so1):
        wid = lax.axis_index("s") * nc + lax.axis_index("c")
        base = wid * apw
        pltpu.sync_copy(inv0_hbm.at[pl.ds(base, ch)], ia_v)
        pltpu.sync_copy(inv0_hbm.at[pl.ds(base + ch, ch)], ib_v)
        pltpu.sync_copy(inv1_hbm.at[pl.ds(base, ch)], ic_v)
        pltpu.sync_copy(inv1_hbm.at[pl.ds(base + ch, ch)], id_v)
        bufs = (rows0_v, rows1_v)
        osems = (so0, so1)
        descs = ((ia_v, base), (ib_v, base + ch),
                 (ic_v, T + base), (id_v, T + base + ch))
        outs = [None, None]
        for i, (iv, dst) in enumerate(descs):
            b = i % 2
            if outs[b] is not None:
                outs[b].wait()
            pltpu.async_copy(ys_hbm.at[iv], bufs[b], sg).wait()
            outs[b] = pltpu.async_copy(
                bufs[b], ytm_hbm.at[pl.ds(dst, ch)], osems[b])
        outs[0].wait()
        outs[1].wait()

    return sc_gather


def kernel(hidden_states, w_router, w_gate_fp8, w_up_fp8, w_down_fp8,
           s_g, s_u, s_d, w_sh_gate, w_sh_up, w_sh_down):
    shape = hidden_states.shape
    x = hidden_states.reshape(-1, shape[-1])

    inv0_2d, inv1_2d, wt0_col, wt1_col, beid_2d = pl.pallas_call(
        _plan_body,
        in_specs=[
            pl.BlockSpec((T, D), lambda: (0, 0)),
            pl.BlockSpec((D, E), lambda: (0, 0)),
        ],
        out_specs=[
            pl.BlockSpec((T // 128, 128), lambda: (0, 0)),
            pl.BlockSpec((T // 128, 128), lambda: (0, 0)),
            pl.BlockSpec((T, 1), lambda: (0, 0)),
            pl.BlockSpec((T, 1), lambda: (0, 0)),
            pl.BlockSpec((1, 128), lambda: (0, 0)),
        ],
        out_shape=[
            jax.ShapeDtypeStruct((T // 128, 128), jnp.int32),
            jax.ShapeDtypeStruct((T // 128, 128), jnp.int32),
            jax.ShapeDtypeStruct((T, 1), jnp.float32),
            jax.ShapeDtypeStruct((T, 1), jnp.float32),
            jax.ShapeDtypeStruct((1, 128), jnp.int32),
        ],
    )(x, w_router)

    inv0 = inv0_2d.reshape(T)
    inv1 = inv1_2d.reshape(T)
    beid = beid_2d[0, :NBLK]

    xs = _make_sc_scatter()(x, inv0, inv1)

    ys = pl.pallas_call(
        _gemm_body,
        grid_spec=pltpu.PrefetchScalarGridSpec(
            num_scalar_prefetch=4,
            grid=(NBLK,),
            in_specs=[
                pl.BlockSpec((BLK, D), lambda b, beid, sg, su, sd: (b, 0)),
                pl.BlockSpec((1, D, F),
                             lambda b, beid, sg, su, sd: (beid[b], 0, 0)),
                pl.BlockSpec((1, D, F),
                             lambda b, beid, sg, su, sd: (beid[b], 0, 0)),
                pl.BlockSpec((1, F, D),
                             lambda b, beid, sg, su, sd: (beid[b], 0, 0)),
            ],
            out_specs=pl.BlockSpec((BLK, D),
                                   lambda b, beid, sg, su, sd: (b, 0)),
        ),
        out_shape=jax.ShapeDtypeStruct((NSLOT, D), jnp.float32),
    )(beid, s_g, s_u, s_d, xs, w_gate_fp8, w_up_fp8, w_down_fp8)

    ytm = _make_sc_gather()(ys, inv0, inv1)

    out = pl.pallas_call(
        _comb_body,
        grid=(NT,),
        in_specs=[
            pl.BlockSpec((TBLK, D), lambda t: (t, 0)),
            pl.BlockSpec((D, FS), lambda t: (0, 0)),
            pl.BlockSpec((D, FS), lambda t: (0, 0)),
            pl.BlockSpec((FS, D), lambda t: (0, 0)),
            pl.BlockSpec((TBLK, D), lambda t: (t, 0)),
            pl.BlockSpec((TBLK, D), lambda t: (t + NT, 0)),
            pl.BlockSpec((TBLK, 1), lambda t: (t, 0)),
            pl.BlockSpec((TBLK, 1), lambda t: (t, 0)),
        ],
        out_specs=pl.BlockSpec((TBLK, D), lambda t: (t, 0)),
        out_shape=jax.ShapeDtypeStruct((T, D), jnp.float32),
    )(x, w_sh_gate, w_sh_up, w_sh_down, ytm, ytm, wt0_col, wt1_col)

    return out.reshape(shape)

# --- scband reference (transcript-rebuilt; emitter-appended) ---
"""Pipeline reference for scband-fp8-mo-elayer-31456340476143 (READ-ONLY COPY).

The authoritative reference and input builder live on the scoring server;
editing this copy changes nothing except your own understanding.
"""

import jax, jax.numpy as jnp
import numpy as np

E = 8
TOP_K = 2
D = 1024
F = 512
FS = 1024
ROUTED_SCALE = 2.5


def setup_inputs(seed: int = 0) -> dict:
    key = jax.random.key(seed)
    ks = jax.random.split(key, 12)
    inp = {}
    inp["hidden_states"] = jax.random.normal(ks[0], (1, 2048, D), dtype=jnp.float32)
    inp["w_router"] = jax.random.normal(ks[1], (D, E), dtype=jnp.float32) * 0.02
    # simulated fp8 weight values (stored as float32) + per-expert dequant scales
    inp["w_gate_fp8"] = jax.random.normal(ks[2], (E, D, F), dtype=jnp.float32)
    inp["w_up_fp8"] = jax.random.normal(ks[3], (E, D, F), dtype=jnp.float32)
    inp["w_down_fp8"] = jax.random.normal(ks[4], (E, F, D), dtype=jnp.float32)
    inp["s_g"] = jnp.full((E,), 0.02, dtype=jnp.float32)
    inp["s_u"] = jnp.full((E,), 0.02, dtype=jnp.float32)
    inp["s_d"] = jnp.full((E,), 0.02, dtype=jnp.float32)
    # shared expert (dense SiLU MLP)
    inp["w_sh_gate"] = jax.random.normal(ks[5], (D, FS), dtype=jnp.float32) * 0.02
    inp["w_sh_up"] = jax.random.normal(ks[6], (D, FS), dtype=jnp.float32) * 0.02
    inp["w_sh_down"] = jax.random.normal(ks[7], (FS, D), dtype=jnp.float32) * 0.02
    return inp


def reference(hidden_states, w_router, w_gate_fp8, w_up_fp8, w_down_fp8, s_g, s_u, s_d, w_sh_gate, w_sh_up, w_sh_down):
    shape = hidden_states.shape
    x = hidden_states.reshape(-1, shape[-1])
    T = x.shape[0]
    # router (gate): softmax scores -> top-k experts per token
    router_logits = x @ w_router
    scores = jax.nn.softmax(router_logits, axis=-1)
    topk_vals, topk_idx = jax.lax.top_k(scores, TOP_K)
    combine = jnp.zeros((T, E), dtype=x.dtype).at[jnp.arange(T)[:, None], topk_idx].set(topk_vals)
    # dequantize fp8 expert weights
    wg = w_gate_fp8 * s_g[:, None, None]
    wu = w_up_fp8 * s_u[:, None, None]
    wd = w_down_fp8 * s_d[:, None, None]
    # routed experts: SiLU-gated MLP per expert, combined by router weights
    g = jnp.einsum('td,edf->tef', x, wg)
    u = jnp.einsum('td,edf->tef', x, wu)
    h = jax.nn.silu(g) * u
    eo = jnp.einsum('tef,efd->ted', h, wd)
    routed = jnp.sum(eo * combine[:, :, None], axis=1)
    routed = routed * ROUTED_SCALE
    # shared expert
    shared = (jax.nn.silu(x @ w_sh_gate) * (x @ w_sh_up)) @ w_sh_down
    return (routed + shared).reshape(shape)

if __name__ == "__main__":
    import jax
    _d = setup_inputs()
    print(jax.jit(kernel)(*tuple(_d.values())))

</pallas_src>

<mosaic_0001>
#map = affine_map<(d0, d1) -> (0, 0)>
#map1 = affine_map<(d0, d1) -> (0)>
module attributes {stable_mosaic.version = 14 : i64} {
  func.func @sc_gather(%arg0: i32, %arg1: i32, %arg2: memref<5120x1024xf32, #tpu.memory_space<hbm>>, %arg3: memref<2048xi32, #tpu.memory_space<hbm>>, %arg4: memref<2048xi32, #tpu.memory_space<hbm>>, %arg5: memref<4096x1024xf32, #tpu.memory_space<hbm>>, %arg6: memref<32xi32, #tpu.memory_space<vmem>>, %arg7: memref<32xi32, #tpu.memory_space<vmem>>, %arg8: memref<32xi32, #tpu.memory_space<vmem>>, %arg9: memref<32xi32, #tpu.memory_space<vmem>>, %arg10: memref<32x1024xf32, #tpu.memory_space<vmem>>, %arg11: memref<32x1024xf32, #tpu.memory_space<vmem>>, %arg12: memref<!tpu.dma_semaphore, #tpu.memory_space<semaphore_mem>>, %arg13: memref<!tpu.dma_semaphore, #tpu.memory_space<semaphore_mem>>, %arg14: memref<!tpu.dma_semaphore, #tpu.memory_space<semaphore_mem>>) attributes {dimension_semantics = [#tpu.dimension_semantics<core_parallel>, #tpu.dimension_semantics<subcore_parallel>], iteration_bounds = array<i64: 2, 16>, scalar_prefetch = 0 : i64, scratch_operands = 9 : i64, tpu.core_type = #tpu.core_type<sc_vector_subcore>, window_params = [{transform_indices = #map}, {transform_indices = #map1}, {transform_indices = #map1}, {transform_indices = #map}]} {
    %mul3A = arith.constant 2 : i32
    %mul3A_0 = arith.muli %arg1, %mul3A : i32
    %add3A = arith.addi %mul3A_0, %arg0 : i32
    %mul3A_1 = arith.constant 64 : i32
    %mul3A_2 = arith.muli %add3A, %mul3A_1 : i32
    "tpu.region"() ({
      %run_scoped3A = tpu.sem_alloc : memref<!tpu.dma_semaphore, #tpu.memory_space<semaphore_mem>>
      %dma_start3A_69 = tpu.memref_slice %arg3[%mul3A_2] : memref<2048xi32, #tpu.memory_space<hbm>> -> memref<32xi32, #tpu.memory_space<hbm>>
      %dma_start3A_70 = tpu.memref_slice %arg3[%mul3A_2] : memref<2048xi32, #tpu.memory_space<hbm>> -> memref<32xi32, #tpu.memory_space<hbm>>
      tpu.enqueue_dma source(%dma_start3A_70 : memref<32xi32, #tpu.memory_space<hbm>>) target(%arg6 : memref<32xi32, #tpu.memory_space<vmem>>) target_semaphore(%run_scoped3A : memref<!tpu.dma_semaphore, #tpu.memory_space<semaphore_mem>>)
      %dma_wait3A_71 = tpu.memref_slice %arg3[%mul3A_2] : memref<2048xi32, #tpu.memory_space<hbm>> -> memref<32xi32, #tpu.memory_space<hbm>>
      %dma_wait3A_72 = tpu.memref_slice %arg3[%mul3A_2] : memref<2048xi32, #tpu.memory_space<hbm>> -> memref<32xi32, #tpu.memory_space<hbm>>
      tpu.wait_dma2 semaphore(%run_scoped3A : memref<!tpu.dma_semaphore, #tpu.memory_space<semaphore_mem>>) src(%dma_wait3A_72 : memref<32xi32, #tpu.memory_space<hbm>>) dst(%arg6 : memref<32xi32, #tpu.memory_space<vmem>>)
      tpu.yield
    }) : () -> ()
    %add3A_3 = arith.constant 32 : i32
    %add3A_4 = arith.addi %mul3A_2, %add3A_3 : i32
    "tpu.region"() ({
      %run_scoped3A = tpu.sem_alloc : memref<!tpu.dma_semaphore, #tpu.memory_space<semaphore_mem>>
      %dma_start3A_69 = tpu.memref_slice %arg3[%add3A_4] : memref<2048xi32, #tpu.memory_space<hbm>> -> memref<32xi32, #tpu.memory_space<hbm>>
      %dma_start3A_70 = tpu.memref_slice %arg3[%add3A_4] : memref<2048xi32, #tpu.memory_space<hbm>> -> memref<32xi32, #tpu.memory_space<hbm>>
      tpu.enqueue_dma source(%dma_start3A_70 : memref<32xi32, #tpu.memory_space<hbm>>) target(%arg7 : memref<32xi32, #tpu.memory_space<vmem>>) target_semaphore(%run_scoped3A : memref<!tpu.dma_semaphore, #tpu.memory_space<semaphore_mem>>)
      %dma_wait3A_71 = tpu.memref_slice %arg3[%add3A_4] : memref<2048xi32, #tpu.memory_space<hbm>> -> memref<32xi32, #tpu.memory_space<hbm>>
      %dma_wait3A_72 = tpu.memref_slice %arg3[%add3A_4] : memref<2048xi32, #tpu.memory_space<hbm>> -> memref<32xi32, #tpu.memory_space<hbm>>
      tpu.wait_dma2 semaphore(%run_scoped3A : memref<!tpu.dma_semaphore, #tpu.memory_space<semaphore_mem>>) src(%dma_wait3A_72 : memref<32xi32, #tpu.memory_space<hbm>>) dst(%arg7 : memref<32xi32, #tpu.memory_space<vmem>>)
      tpu.yield
    }) : () -> ()
    "tpu.region"() ({
      %run_scoped3A = tpu.sem_alloc : memref<!tpu.dma_semaphore, #tpu.memory_space<semaphore_mem>>
      %dma_start3A_69 = tpu.memref_slice %arg4[%mul3A_2] : memref<2048xi32, #tpu.memory_space<hbm>> -> memref<32xi32, #tpu.memory_space<hbm>>
      %dma_start3A_70 = tpu.memref_slice %arg4[%mul3A_2] : memref<2048xi32, #tpu.memory_space<hbm>> -> memref<32xi32, #tpu.memory_space<hbm>>
      tpu.enqueue_dma source(%dma_start3A_70 : memref<32xi32, #tpu.memory_space<hbm>>) target(%arg8 : memref<32xi32, #tpu.memory_space<vmem>>) target_semaphore(%run_scoped3A : memref<!tpu.dma_semaphore, #tpu.memory_space<semaphore_mem>>)
      %dma_wait3A_71 = tpu.memref_slice %arg4[%mul3A_2] : memref<2048xi32, #tpu.memory_space<hbm>> -> memref<32xi32, #tpu.memory_space<hbm>>
      %dma_wait3A_72 = tpu.memref_slice %arg4[%mul3A_2] : memref<2048xi32, #tpu.memory_space<hbm>> -> memref<32xi32, #tpu.memory_space<hbm>>
      tpu.wait_dma2 semaphore(%run_scoped3A : memref<!tpu.dma_semaphore, #tpu.memory_space<semaphore_mem>>) src(%dma_wait3A_72 : memref<32xi32, #tpu.memory_space<hbm>>) dst(%arg8 : memref<32xi32, #tpu.memory_space<vmem>>)
      tpu.yield
    }) : () -> ()
    %add3A_5 = arith.constant 32 : i32
    %add3A_6 = arith.addi %mul3A_2, %add3A_5 : i32
    "tpu.region"() ({
      %run_scoped3A = tpu.sem_alloc : memref<!tpu.dma_semaphore, #tpu.memory_space<semaphore_mem>>
      %dma_start3A_69 = tpu.memref_slice %arg4[%add3A_6] : memref<2048xi32, #tpu.memory_space<hbm>> -> memref<32xi32, #tpu.memory_space<hbm>>
      %dma_start3A_70 = tpu.memref_slice %arg4[%add3A_6] : memref<2048xi32, #tpu.memory_space<hbm>> -> memref<32xi32, #tpu.memory_space<hbm>>
      tpu.enqueue_dma source(%dma_start3A_70 : memref<32xi32, #tpu.memory_space<hbm>>) target(%arg9 : memref<32xi32, #tpu.memory_space<vmem>>) target_semaphore(%run_scoped3A : memref<!tpu.dma_semaphore, #tpu.memory_space<semaphore_mem>>)
      %dma_wait3A_71 = tpu.memref_slice %arg4[%add3A_6] : memref<2048xi32, #tpu.memory_space<hbm>> -> memref<32xi32, #tpu.memory_space<hbm>>
      %dma_wait3A_72 = tpu.memref_slice %arg4[%add3A_6] : memref<2048xi32, #tpu.memory_space<hbm>> -> memref<32xi32, #tpu.memory_space<hbm>>
      tpu.wait_dma2 semaphore(%run_scoped3A : memref<!tpu.dma_semaphore, #tpu.memory_space<semaphore_mem>>) src(%dma_wait3A_72 : memref<32xi32, #tpu.memory_space<hbm>>) dst(%arg9 : memref<32xi32, #tpu.memory_space<vmem>>)
      tpu.yield
    }) : () -> ()
    %add3A_7 = arith.constant 32 : i32
    %add3A_8 = arith.addi %mul3A_2, %add3A_7 : i32
    %add3A_9 = arith.constant 2048 : i32
    %add3A_10 = arith.addi %add3A_9, %mul3A_2 : i32
    %add3A_11 = arith.constant 2048 : i32
    %add3A_12 = arith.addi %add3A_11, %mul3A_2 : i32
    %add3A_13 = arith.constant 32 : i32
    %add3A_14 = arith.addi %add3A_12, %add3A_13 : i32
    %dma_start3A = arith.constant 0 : i32
    %dma_start3A_15 = arith.constant 0 : i32
    %dma_start3A_16 = tpu.memref_slice %arg2[%dma_start3A, %dma_start3A_15] : memref<5120x1024xf32, #tpu.memory_space<hbm>> -> memref<5120x1024xf32, #tpu.memory_space<hbm>>
    tpu.enqueue_indirect_dma source(%dma_start3A_16 : memref<5120x1024xf32, #tpu.memory_space<hbm>>) target(%arg10 : memref<32x1024xf32, #tpu.memory_space<vmem>>) offsets(%arg6 : memref<32xi32, #tpu.memory_space<vmem>>) semaphore(%arg12 : memref<!tpu.dma_semaphore, #tpu.memory_space<semaphore_mem>>)
    %dma_wait3A = arith.constant 0 : i32
    %dma_wait3A_17 = arith.constant 0 : i32
    %dma_wait3A_18 = tpu.memref_slice %arg2[%dma_wait3A, %dma_wait3A_17] : memref<5120x1024xf32, #tpu.memory_space<hbm>> -> memref<5120x1024xf32, #tpu.memory_space<hbm>>
    tpu.wait_indirect_dma semaphore(%arg12 : memref<!tpu.dma_semaphore, #tpu.memory_space<semaphore_mem>>) src(%dma_wait3A_18 : memref<5120x1024xf32, #tpu.memory_space<hbm>>) dst(%arg10 : memref<32x1024xf32, #tpu.memory_space<vmem>>)
    %dma_start3A_19 = arith.constant 0 : i32
    %dma_start3A_20 = tpu.memref_slice %arg5[%mul3A_2, %dma_start3A_19] : memref<4096x1024xf32, #tpu.memory_space<hbm>> -> memref<32x1024xf32, #tpu.memory_space<hbm>>
    %dma_start3A_21 = arith.constant 0 : i32
    %dma_start3A_22 = tpu.memref_slice %arg5[%mul3A_2, %dma_start3A_21] : memref<4096x1024xf32, #tpu.memory_space<hbm>> -> memref<32x1024xf32, #tpu.memory_space<hbm>>
    tpu.enqueue_dma source(%arg10 : memref<32x1024xf32, #tpu.memory_space<vmem>>) target(%dma_start3A_22 : memref<32x1024xf32, #tpu.memory_space<hbm>>) target_semaphore(%arg13 : memref<!tpu.dma_semaphore, #tpu.memory_space<semaphore_mem>>)
    %dma_start3A_23 = arith.constant 0 : i32
    %dma_start3A_24 = arith.constant 0 : i32
    %dma_start3A_25 = tpu.memref_slice %arg2[%dma_start3A_23, %dma_start3A_24] : memref<5120x1024xf32, #tpu.memory_space<hbm>> -> memref<5120x1024xf32, #tpu.memory_space<hbm>>
    tpu.enqueue_indirect_dma source(%dma_start3A_25 : memref<5120x1024xf32, #tpu.memory_space<hbm>>) target(%arg11 : memref<32x1024xf32, #tpu.memory_space<vmem>>) offsets(%arg7 : memref<32xi32, #tpu.memory_space<vmem>>) semaphore(%arg12 : memref<!tpu.dma_semaphore, #tpu.memory_space<semaphore_mem>>)
    %dma_wait3A_26 = arith.constant 0 : i32
    %dma_wait3A_27 = arith.constant 0 : i32
    %dma_wait3A_28 = tpu.memref_slice %arg2[%dma_wait3A_26, %dma_wait3A_27] : memref<5120x1024xf32, #tpu.memory_space<hbm>> -> memref<5120x1024xf32, #tpu.memory_space<hbm>>
    tpu.wait_indirect_dma semaphore(%arg12 : memref<!tpu.dma_semaphore, #tpu.memory_space<semaphore_mem>>) src(%dma_wait3A_28 : memref<5120x1024xf32, #tpu.memory_space<hbm>>) dst(%arg11 : memref<32x1024xf32, #tpu.memory_space<vmem>>)
    %dma_start3A_29 = arith.constant 0 : i32
    %dma_start3A_30 = tpu.memref_slice %arg5[%add3A_8, %dma_start3A_29] : memref<4096x1024xf32, #tpu.memory_space<hbm>> -> memref<32x1024xf32, #tpu.memory_space<hbm>>
    %dma_start3A_31 = arith.constant 0 : i32
    %dma_start3A_32 = tpu.memref_slice %arg5[%add3A_8, %dma_start3A_31] : memref<4096x1024xf32, #tpu.memory_space<hbm>> -> memref<32x1024xf32, #tpu.memory_space<hbm>>
    tpu.enqueue_dma source(%arg11 : memref<32x1024xf32, #tpu.memory_space<vmem>>) target(%dma_start3A_32 : memref<32x1024xf32, #tpu.memory_space<hbm>>) target_semaphore(%arg14 : memref<!tpu.dma_semaphore, #tpu.memory_space<semaphore_mem>>)
    %dma_wait3A_33 = arith.constant 0 : i32
    %dma_wait3A_34 = tpu.memref_slice %arg5[%mul3A_2, %dma_wait3A_33] : memref<4096x1024xf32, #tpu.memory_space<hbm>> -> memref<32x1024xf32, #tpu.memory_space<hbm>>
    %dma_wait3A_35 = arith.constant 0 : i32
    %dma_wait3A_36 = tpu.memref_slice %arg5[%mul3A_2, %dma_wait3A_35] : memref<4096x1024xf32, #tpu.memory_space<hbm>> -> memref<32x1024xf32, #tpu.memory_space<hbm>>
    tpu.wait_dma2 semaphore(%arg13 : memref<!tpu.dma_semaphore, #tpu.memory_space<semaphore_mem>>) src(%arg10 : memref<32x1024xf32, #tpu.memory_space<vmem>>) dst(%dma_wait3A_36 : memref<32x1024xf32, #tpu.memory_space<hbm>>)
    %dma_start3A_37 = arith.constant 0 : i32
    %dma_start3A_38 = arith.constant 0 : i32
    %dma_start3A_39 = tpu.memref_slice %arg2[%dma_start3A_37, %dma_start3A_38] : memref<5120x1024xf32, #tpu.memory_space<hbm>> -> memref<5120x1024xf32, #tpu.memory_space<hbm>>
    tpu.enqueue_indirect_dma source(%dma_start3A_39 : memref<5120x1024xf32, #tpu.memory_space<hbm>>) target(%arg10 : memref<32x1024xf32, #tpu.memory_space<vmem>>) offsets(%arg8 : memref<32xi32, #tpu.memory_space<vmem>>) semaphore(%arg12 : memref<!tpu.dma_semaphore, #tpu.memory_space<semaphore_mem>>)
    %dma_wait3A_40 = arith.constant 0 : i32
    %dma_wait3A_41 = arith.constant 0 : i32
    %dma_wait3A_42 = tpu.memref_slice %arg2[%dma_wait3A_40, %dma_wait3A_41] : memref<5120x1024xf32, #tpu.memory_space<hbm>> -> memref<5120x1024xf32, #tpu.memory_space<hbm>>
    tpu.wait_indirect_dma semaphore(%arg12 : memref<!tpu.dma_semaphore, #tpu.memory_space<semaphore_mem>>) src(%dma_wait3A_42 : memref<5120x1024xf32, #tpu.memory_space<hbm>>) dst(%arg10 : memref<32x1024xf32, #tpu.memory_space<vmem>>)
    %dma_start3A_43 = arith.constant 0 : i32
    %dma_start3A_44 = tpu.memref_slice %arg5[%add3A_10, %dma_start3A_43] : memref<4096x1024xf32, #tpu.memory_space<hbm>> -> memref<32x1024xf32, #tpu.memory_space<hbm>>
    %dma_start3A_45 = arith.constant 0 : i32
    %dma_start3A_46 = tpu.memref_slice %arg5[%add3A_10, %dma_start3A_45] : memref<4096x1024xf32, #tpu.memory_space<hbm>> -> memref<32x1024xf32, #tpu.memory_space<hbm>>
    tpu.enqueue_dma source(%arg10 : memref<32x1024xf32, #tpu.memory_space<vmem>>) target(%dma_start3A_46 : memref<32x1024xf32, #tpu.memory_space<hbm>>) target_semaphore(%arg13 : memref<!tpu.dma_semaphore, #tpu.memory_space<semaphore_mem>>)
    %dma_wait3A_47 = arith.constant 0 : i32
    %dma_wait3A_48 = tpu.memref_slice %arg5[%add3A_8, %dma_wait3A_47] : memref<4096x1024xf32, #tpu.memory_space<hbm>> -> memref<32x1024xf32, #tpu.memory_space<hbm>>
    %dma_wait3A_49 = arith.constant 0 : i32
    %dma_wait3A_50 = tpu.memref_slice %arg5[%add3A_8, %dma_wait3A_49] : memref<4096x1024xf32, #tpu.memory_space<hbm>> -> memref<32x1024xf32, #tpu.memory_space<hbm>>
    tpu.wait_dma2 semaphore(%arg14 : memref<!tpu.dma_semaphore, #tpu.memory_space<semaphore_mem>>) src(%arg11 : memref<32x1024xf32, #tpu.memory_space<vmem>>) dst(%dma_wait3A_50 : memref<32x1024xf32, #tpu.memory_space<hbm>>)
    %dma_start3A_51 = arith.constant 0 : i32
    %dma_start3A_52 = arith.constant 0 : i32
    %dma_start3A_53 = tpu.memref_slice %arg2[%dma_start3A_51, %dma_start3A_52] : memref<5120x1024xf32, #tpu.memory_space<hbm>> -> memref<5120x1024xf32, #tpu.memory_space<hbm>>
    tpu.enqueue_indirect_dma source(%dma_start3A_53 : memref<5120x1024xf32, #tpu.memory_space<hbm>>) target(%arg11 : memref<32x1024xf32, #tpu.memory_space<vmem>>) offsets(%arg9 : memref<32xi32, #tpu.memory_space<vmem>>) semaphore(%arg12 : memref<!tpu.dma_semaphore, #tpu.memory_space<semaphore_mem>>)
    %dma_wait3A_54 = arith.constant 0 : i32
    %dma_wait3A_55 = arith.constant 0 : i32
    %dma_wait3A_56 = tpu.memref_slice %arg2[%dma_wait3A_54, %dma_wait3A_55] : memref<5120x1024xf32, #tpu.memory_space<hbm>> -> memref<5120x1024xf32, #tpu.memory_space<hbm>>
    tpu.wait_indirect_dma semaphore(%arg12 : memref<!tpu.dma_semaphore, #tpu.memory_space<semaphore_mem>>) src(%dma_wait3A_56 : memref<5120x1024xf32, #tpu.memory_space<hbm>>) dst(%arg11 : memref<32x1024xf32, #tpu.memory_space<vmem>>)
    %dma_start3A_57 = arith.constant 0 : i32
    %dma_start3A_58 = tpu.memref_slice %arg5[%add3A_14, %dma_start3A_57] : memref<4096x1024xf32, #tpu.memory_space<hbm>> -> memref<32x1024xf32, #tpu.memory_space<hbm>>
    %dma_start3A_59 = arith.constant 0 : i32
    %dma_start3A_60 = tpu.memref_slice %arg5[%add3A_14, %dma_start3A_59] : memref<4096x1024xf32, #tpu.memory_space<hbm>> -> memref<32x1024xf32, #tpu.memory_space<hbm>>
    tpu.enqueue_dma source(%arg11 : memref<32x1024xf32, #tpu.memory_space<vmem>>) target(%dma_start3A_60 : memref<32x1024xf32, #tpu.memory_space<hbm>>) target_semaphore(%arg14 : memref<!tpu.dma_semaphore, #tpu.memory_space<semaphore_mem>>)
    %dma_wait3A_61 = arith.constant 0 : i32
    %dma_wait3A_62 = tpu.memref_slice %arg5[%add3A_10, %dma_wait3A_61] : memref<4096x1024xf32, #tpu.memory_space<hbm>> -> memref<32x1024xf32, #tpu.memory_space<hbm>>
    %dma_wait3A_63 = arith.constant 0 : i32
    %dma_wait3A_64 = tpu.memref_slice %arg5[%add3A_10, %dma_wait3A_63] : memref<4096x1024xf32, #tpu.memory_space<hbm>> -> memref<32x1024xf32, #tpu.memory_space<hbm>>
    tpu.wait_dma2 semaphore(%arg13 : memref<!tpu.dma_semaphore, #tpu.memory_space<semaphore_mem>>) src(%arg10 : memref<32x1024xf32, #tpu.memory_space<vmem>>) dst(%dma_wait3A_64 : memref<32x1024xf32, #tpu.memory_space<hbm>>)
    %dma_wait3A_65 = arith.constant 0 : i32
    %dma_wait3A_66 = tpu.memref_slice %arg5[%add3A_14, %dma_wait3A_65] : memref<4096x1024xf32, #tpu.memory_space<hbm>> -> memref<32x1024xf32, #tpu.memory_space<hbm>>
    %dma_wait3A_67 = arith.constant 0 : i32
    %dma_wait3A_68 = tpu.memref_slice %arg5[%add3A_14, %dma_wait3A_67] : memref<4096x1024xf32, #tpu.memory_space<hbm>> -> memref<32x1024xf32, #tpu.memory_space<hbm>>
    tpu.wait_dma2 semaphore(%arg14 : memref<!tpu.dma_semaphore, #tpu.memory_space<semaphore_mem>>) src(%arg11 : memref<32x1024xf32, #tpu.memory_space<vmem>>) dst(%dma_wait3A_68 : memref<32x1024xf32, #tpu.memory_space<hbm>>)
    return
  }
}

#map = affine_map<(d0, d1) -> (0, 0)>
#map1 = affine_map<(d0, d1) -> (0)>
module attributes {stable_mosaic.version = 14 : i64} {
  func.func @sc_scatter(%arg0: i32, %arg1: i32, %arg2: memref<2048x1024xf32, #tpu.memory_space<hbm>>, %arg3: memref<2048xi32, #tpu.memory_space<hbm>>, %arg4: memref<2048xi32, #tpu.memory_space<hbm>>, %arg5: memref<5120x1024xf32, #tpu.memory_space<hbm>>, %arg6: memref<64xi32, #tpu.memory_space<vmem>>, %arg7: memref<64xi32, #tpu.memory_space<vmem>>, %arg8: memref<64x1024xf32, #tpu.memory_space<vmem>>, %arg9: memref<!tpu.dma_semaphore, #tpu.memory_space<semaphore_mem>>, %arg10: memref<!tpu.dma_semaphore, #tpu.memory_space<semaphore_mem>>) attributes {dimension_semantics = [#tpu.dimension_semantics<core_parallel>, #tpu.dimension_semantics<subcore_parallel>], iteration_bounds = array<i64: 2, 16>, scalar_prefetch = 0 : i64, scratch_operands = 5 : i64, tpu.core_type = #tpu.core_type<sc_vector_subcore>, window_params = [{transform_indices = #map}, {transform_indices = #map1}, {transform_indices = #map1}, {transform_indices = #map}]} {
    %mul3A = arith.constant 2 : i32
    %mul3A_0 = arith.muli %arg1, %mul3A : i32
    %add3A = arith.addi %mul3A_0, %arg0 : i32
    %mul3A_1 = arith.constant 64 : i32
    %mul3A_2 = arith.muli %add3A, %mul3A_1 : i32
    %dma_start3A = arith.constant 0 : i32
    %dma_start3A_3 = tpu.memref_slice %arg2[%mul3A_2, %dma_start3A] : memref<2048x1024xf32, #tpu.memory_space<hbm>> -> memref<64x1024xf32, #tpu.memory_space<hbm>>
    %dma_start3A_4 = arith.constant 0 : i32
    %dma_start3A_5 = tpu.memref_slice %arg2[%mul3A_2, %dma_start3A_4] : memref<2048x1024xf32, #tpu.memory_space<hbm>> -> memref<64x1024xf32, #tpu.memory_space<hbm>>
    tpu.enqueue_dma source(%dma_start3A_5 : memref<64x1024xf32, #tpu.memory_space<hbm>>) target(%arg8 : memref<64x1024xf32, #tpu.memory_space<vmem>>) target_semaphore(%arg10 : memref<!tpu.dma_semaphore, #tpu.memory_space<semaphore_mem>>)
    "tpu.region"() ({
      %run_scoped3A = tpu.sem_alloc : memref<!tpu.dma_semaphore, #tpu.memory_space<semaphore_mem>>
      %dma_start3A_21 = tpu.memref_slice %arg3[%mul3A_2] : memref<2048xi32, #tpu.memory_space<hbm>> -> memref<64xi32, #tpu.memory_space<hbm>>
      %dma_start3A_22 = tpu.memref_slice %arg3[%mul3A_2] : memref<2048xi32, #tpu.memory_space<hbm>> -> memref<64xi32, #tpu.memory_space<hbm>>
      tpu.enqueue_dma source(%dma_start3A_22 : memref<64xi32, #tpu.memory_space<hbm>>) target(%arg6 : memref<64xi32, #tpu.memory_space<vmem>>) target_semaphore(%run_scoped3A : memref<!tpu.dma_semaphore, #tpu.memory_space<semaphore_mem>>)
      %dma_wait3A_23 = tpu.memref_slice %arg3[%mul3A_2] : memref<2048xi32, #tpu.memory_space<hbm>> -> memref<64xi32, #tpu.memory_space<hbm>>
      %dma_wait3A_24 = tpu.memref_slice %arg3[%mul3A_2] : memref<2048xi32, #tpu.memory_space<hbm>> -> memref<64xi32, #tpu.memory_space<hbm>>
      tpu.wait_dma2 semaphore(%run_scoped3A : memref<!tpu.dma_semaphore, #tpu.memory_space<semaphore_mem>>) src(%dma_wait3A_24 : memref<64xi32, #tpu.memory_space<hbm>>) dst(%arg6 : memref<64xi32, #tpu.memory_space<vmem>>)
      tpu.yield
    }) : () -> ()
    "tpu.region"() ({
      %run_scoped3A = tpu.sem_alloc : memref<!tpu.dma_semaphore, #tpu.memory_space<semaphore_mem>>
      %dma_start3A_21 = tpu.memref_slice %arg4[%mul3A_2] : memref<2048xi32, #tpu.memory_space<hbm>> -> memref<64xi32, #tpu.memory_space<hbm>>
      %dma_start3A_22 = tpu.memref_slice %arg4[%mul3A_2] : memref<2048xi32, #tpu.memory_space<hbm>> -> memref<64xi32, #tpu.memory_space<hbm>>
      tpu.enqueue_dma source(%dma_start3A_22 : memref<64xi32, #tpu.memory_space<hbm>>) target(%arg7 : memref<64xi32, #tpu.memory_space<vmem>>) target_semaphore(%run_scoped3A : memref<!tpu.dma_semaphore, #tpu.memory_space<semaphore_mem>>)
      %dma_wait3A_23 = tpu.memref_slice %arg4[%mul3A_2] : memref<2048xi32, #tpu.memory_space<hbm>> -> memref<64xi32, #tpu.memory_space<hbm>>
      %dma_wait3A_24 = tpu.memref_slice %arg4[%mul3A_2] : memref<2048xi32, #tpu.memory_space<hbm>> -> memref<64xi32, #tpu.memory_space<hbm>>
      tpu.wait_dma2 semaphore(%run_scoped3A : memref<!tpu.dma_semaphore, #tpu.memory_space<semaphore_mem>>) src(%dma_wait3A_24 : memref<64xi32, #tpu.memory_space<hbm>>) dst(%arg7 : memref<64xi32, #tpu.memory_space<vmem>>)
      tpu.yield
    }) : () -> ()
    %dma_wait3A = arith.constant 0 : i32
    %dma_wait3A_6 = tpu.memref_slice %arg2[%mul3A_2, %dma_wait3A] : memref<2048x1024xf32, #tpu.memory_space<hbm>> -> memref<64x1024xf32, #tpu.memory_space<hbm>>
    %dma_wait3A_7 = arith.constant 0 : i32
    %dma_wait3A_8 = tpu.memref_slice %arg2[%mul3A_2, %dma_wait3A_7] : memref<2048x1024xf32, #tpu.memory_space<hbm>> -> memref<64x1024xf32, #tpu.memory_space<hbm>>
    tpu.wait_dma2 semaphore(%arg10 : memref<!tpu.dma_semaphore, #tpu.memory_space<semaphore_mem>>) src(%dma_wait3A_8 : memref<64x1024xf32, #tpu.memory_space<hbm>>) dst(%arg8 : memref<64x1024xf32, #tpu.memory_space<vmem>>)
    %dma_start3A_9 = arith.constant 0 : i32
    %dma_start3A_10 = arith.constant 0 : i32
    %dma_start3A_11 = tpu.memref_slice %arg5[%dma_start3A_9, %dma_start3A_10] : memref<5120x1024xf32, #tpu.memory_space<hbm>> -> memref<5120x1024xf32, #tpu.memory_space<hbm>>
    tpu.enqueue_indirect_dma source(%arg8 : memref<64x1024xf32, #tpu.memory_space<vmem>>) target(%dma_start3A_11 : memref<5120x1024xf32, #tpu.memory_space<hbm>>) offsets(%arg6 : memref<64xi32, #tpu.memory_space<vmem>>) semaphore(%arg9 : memref<!tpu.dma_semaphore, #tpu.memory_space<semaphore_mem>>)
    %dma_start3A_12 = arith.constant 0 : i32
    %dma_start3A_13 = arith.constant 0 : i32
    %dma_start3A_14 = tpu.memref_slice %arg5[%dma_start3A_12, %dma_start3A_13] : memref<5120x1024xf32, #tpu.memory_space<hbm>> -> memref<5120x1024xf32, #tpu.memory_space<hbm>>
    tpu.enqueue_indirect_dma source(%arg8 : memref<64x1024xf32, #tpu.memory_space<vmem>>) target(%dma_start3A_14 : memref<5120x1024xf32, #tpu.memory_space<hbm>>) offsets(%arg7 : memref<64xi32, #tpu.memory_space<vmem>>) semaphore(%arg9 : memref<!tpu.dma_semaphore, #tpu.memory_space<semaphore_mem>>)
    %dma_wait3A_15 = arith.constant 0 : i32
    %dma_wait3A_16 = arith.constant 0 : i32
    %dma_wait3A_17 = tpu.memref_slice %arg5[%dma_wait3A_15, %dma_wait3A_16] : memref<5120x1024xf32, #tpu.memory_space<hbm>> -> memref<5120x1024xf32, #tpu.memory_space<hbm>>
    tpu.wait_indirect_dma semaphore(%arg9 : memref<!tpu.dma_semaphore, #tpu.memory_space<semaphore_mem>>) src(%arg8 : memref<64x1024xf32, #tpu.memory_space<vmem>>) dst(%dma_wait3A_17 : memref<5120x1024xf32, #tpu.memory_space<hbm>>)
    %dma_wait3A_18 = arith.constant 0 : i32
    %dma_wait3A_19 = arith.constant 0 : i32
    %dma_wait3A_20 = tpu.memref_slice %arg5[%dma_wait3A_18, %dma_wait3A_19] : memref<5120x1024xf32, #tpu.memory_space<hbm>> -> memref<5120x1024xf32, #tpu.memory_space<hbm>>
    tpu.wait_indirect_dma semaphore(%arg9 : memref<!tpu.dma_semaphore, #tpu.memory_space<semaphore_mem>>) src(%arg8 : memref<64x1024xf32, #tpu.memory_space<vmem>>) dst(%dma_wait3A_20 : memref<5120x1024xf32, #tpu.memory_space<hbm>>)
    return
  }
}

module attributes {stable_mosaic.version = 14 : i64} {
  func.func @_gemm_body(%arg0: i32, %arg1: memref<40xi32, #tpu.memory_space<smem>>, %arg2: memref<8xf32, #tpu.memory_space<smem>>, %arg3: memref<8xf32, #tpu.memory_space<smem>>, %arg4: memref<8xf32, #tpu.memory_space<smem>>, %arg5: memref<128x1024xf32, #tpu.memory_space<vmem>>, %arg6: memref<1x1024x512xf32, #tpu.memory_space<vmem>>, %arg7: memref<1x1024x512xf32, #tpu.memory_space<vmem>>, %arg8: memref<1x512x1024xf32, #tpu.memory_space<vmem>>, %arg9: memref<128x1024xf32, #tpu.memory_space<vmem>>) attributes {dimension_semantics = [#tpu.dimension_semantics<arbitrary>], iteration_bounds = array<i64: 40>, scalar_prefetch = 4 : i64, scratch_operands = 0 : i64, tpu.core_type = #tpu.core_type<tc>, window_params = [{transform_indices = @transform_0, window_bounds = array<i64: 128, 1024>}, {transform_indices = @transform_1, window_bounds = array<i64: 1, 1024, 512>}, {transform_indices = @transform_2, window_bounds = array<i64: 1, 1024, 512>}, {transform_indices = @transform_3, window_bounds = array<i64: 1, 512, 1024>}, {transform_indices = @transform_4, window_bounds = array<i64: 128, 1024>}]} {
    %get3A = arith.index_cast %arg0 : i32 to index
    %get3A_0 = memref.load %arg1[%get3A] : memref<40xi32, #tpu.memory_space<smem>>
    %get3A_1 = arith.constant 0 : index
    %get3A_2 = arith.constant 0 : index
    %get3A_3 = vector.load %arg5[%get3A_1, %get3A_2] : memref<128x1024xf32, #tpu.memory_space<vmem>>, vector<128x1024xf32>
    %convert_element_type3A = arith.truncf %get3A_3 : vector<128x1024xf32> to vector<128x1024xbf16>
    %get3A_4 = arith.constant 0 : index
    %get3A_5 = arith.constant 0 : index
    %get3A_6 = arith.constant 0 : index
    %get3A_7 = vector.load %arg6[%get3A_4, %get3A_5, %get3A_6] : memref<1x1024x512xf32, #tpu.memory_space<vmem>>, vector<1x1024x512xf32>
    %get3A_8 = vector.shape_cast %get3A_7 : vector<1x1024x512xf32> to vector<1024x512xf32>
    %convert_element_type3A_9 = arith.truncf %get3A_8 : vector<1024x512xf32> to vector<1024x512xbf16>
    %get3A_10 = arith.constant 0 : index
    %get3A_11 = arith.constant 0 : index
    %get3A_12 = arith.constant 0 : index
    %get3A_13 = vector.load %arg7[%get3A_10, %get3A_11, %get3A_12] : memref<1x1024x512xf32, #tpu.memory_space<vmem>>, vector<1x1024x512xf32>
    %get3A_14 = vector.shape_cast %get3A_13 : vector<1x1024x512xf32> to vector<1024x512xf32>
    %convert_element_type3A_15 = arith.truncf %get3A_14 : vector<1024x512xf32> to vector<1024x512xbf16>
    %get3A_16 = arith.constant 0 : index
    %get3A_17 = arith.constant 0 : index
    %get3A_18 = arith.constant 0 : index
    %get3A_19 = vector.load %arg8[%get3A_16, %get3A_17, %get3A_18] : memref<1x512x1024xf32, #tpu.memory_space<vmem>>, vector<1x512x1024xf32>
    %get3A_20 = vector.shape_cast %get3A_19 : vector<1x512x1024xf32> to vector<512x1024xf32>
    %convert_element_type3A_21 = arith.truncf %get3A_20 : vector<512x1024xf32> to vector<512x1024xbf16>
    %dot_general3A = arith.constant dense<0.000000e+00> : vector<128x512xf32>
    %dot_general3A_22 = tpu.matmul %convert_element_type3A, %convert_element_type3A_9, %dot_general3A {dimension_numbers = #tpu.dot_dimension_numbers<[1], [0], [0], [1], [0, 0, 1, 1], [], []>, transpose_lhs_hint = false} : vector<128x1024xbf16>, vector<1024x512xbf16>, vector<128x512xf32> -> vector<128x512xf32>
    %get3A_23 = arith.index_cast %get3A_0 : i32 to index
    %get3A_24 = memref.load %arg2[%get3A_23] : memref<8xf32, #tpu.memory_space<smem>>
    %mul3A = vector.broadcast %get3A_24 : f32 to vector<128x512xf32>
    %mul3A_25 = arith.mulf %dot_general3A_22, %mul3A : vector<128x512xf32>
    %dot_general3A_26 = arith.constant dense<0.000000e+00> : vector<128x512xf32>
    %dot_general3A_27 = tpu.matmul %convert_element_type3A, %convert_element_type3A_15, %dot_general3A_26 {dimension_numbers = #tpu.dot_dimension_numbers<[1], [0], [0], [1], [0, 0, 1, 1], [], []>, transpose_lhs_hint = false} : vector<128x1024xbf16>, vector<1024x512xbf16>, vector<128x512xf32> -> vector<128x512xf32>
    %get3A_28 = arith.index_cast %get3A_0 : i32 to index
    %get3A_29 = memref.load %arg3[%get3A_28] : memref<8xf32, #tpu.memory_space<smem>>
    %mul3A_30 = vector.broadcast %get3A_29 : f32 to vector<128x512xf32>
    %mul3A_31 = arith.mulf %dot_general3A_27, %mul3A_30 : vector<128x512xf32>
    %logistic3A = arith.negf %mul3A_25 : vector<128x512xf32>
    %logistic3A_32 = math.exp %logistic3A : vector<128x512xf32>
    %logistic3A_33 = arith.constant 1.000000e+00 : f32
    %logistic3A_34 = vector.broadcast %logistic3A_33 : f32 to vector<128x512xf32>
    %logistic3A_35 = arith.addf %logistic3A_34, %logistic3A_32 : vector<128x512xf32>
    %logistic3A_36 = arith.divf %logistic3A_34, %logistic3A_35 : vector<128x512xf32>
    %mul3A_37 = arith.mulf %mul3A_25, %logistic3A_36 : vector<128x512xf32>
    %mul3A_38 = arith.mulf %mul3A_37, %mul3A_31 : vector<128x512xf32>
    %convert_element_type3A_39 = arith.truncf %mul3A_38 : vector<128x512xf32> to vector<128x512xbf16>
    %dot_general3A_40 = arith.constant dense<0.000000e+00> : vector<128x1024xf32>
    %dot_general3A_41 = tpu.matmul %convert_element_type3A_39, %convert_element_type3A_21, %dot_general3A_40 {dimension_numbers = #tpu.dot_dimension_numbers<[1], [0], [0], [1], [0, 0, 1, 1], [], []>, transpose_lhs_hint = false} : vector<128x512xbf16>, vector<512x1024xbf16>, vector<128x1024xf32> -> vector<128x1024xf32>
    %get3A_42 = arith.index_cast %get3A_0 : i32 to index
    %get3A_43 = memref.load %arg4[%get3A_42] : memref<8xf32, #tpu.memory_space<smem>>
    %mul3A_44 = vector.broadcast %get3A_43 : f32 to vector<128x1024xf32>
    %mul3A_45 = arith.mulf %dot_general3A_41, %mul3A_44 : vector<128x1024xf32>
    %swap3A = arith.constant 0 : index
    %swap3A_46 = arith.constant 0 : index
    %swap3A_47 = vector.load %arg9[%swap3A, %swap3A_46] : memref<128x1024xf32, #tpu.memory_space<vmem>>, vector<128x1024xf32>
    tpu.vector_store %arg9[%swap3A, %swap3A_46], %mul3A_45 {strides = array<i32>} : memref<128x1024xf32, #tpu.memory_space<vmem>>, vector<128x1024xf32>,
    return
  }
  func.func @transform_0(%arg0: i32, %arg1: memref<40xi32, #tpu.memory_space<smem>>, %arg2: memref<8xf32, #tpu.memory_space<smem>>, %arg3: memref<8xf32, #tpu.memory_space<smem>>, %arg4: memref<8xf32, #tpu.memory_space<smem>>) -> (i32, i32) {
    %c0_i32 = arith.constant 0 : i32
    %c0_i32_0 = arith.constant 0 : i32
    return %arg0, %c0_i32 : i32, i32
  }
  func.func @transform_1(%arg0: i32, %arg1: memref<40xi32, #tpu.memory_space<smem>>, %arg2: memref<8xf32, #tpu.memory_space<smem>>, %arg3: memref<8xf32, #tpu.memory_space<smem>>, %arg4: memref<8xf32, #tpu.memory_space<smem>>) -> (i32, i32, i32) {
    %get3A = arith.index_cast %arg0 : i32 to index
    %get3A_0 = memref.load %arg1[%get3A] : memref<40xi32, #tpu.memory_space<smem>>
    %c0_i32 = arith.constant 0 : i32
    %c0_i32_1 = arith.constant 0 : i32
    %c0_i32_2 = arith.constant 0 : i32
    return %get3A_0, %c0_i32, %c0_i32_1 : i32, i32, i32
  }
  func.func @transform_2(%arg0: i32, %arg1: memref<40xi32, #tpu.memory_space<smem>>, %arg2: memref<8xf32, #tpu.memory_space<smem>>, %arg3: memref<8xf32, #tpu.memory_space<smem>>, %arg4: memref<8xf32, #tpu.memory_space<smem>>) -> (i32, i32, i32) {
    %get3A = arith.index_cast %arg0 : i32 to index
    %get3A_0 = memref.load %arg1[%get3A] : memref<40xi32, #tpu.memory_space<smem>>
    %c0_i32 = arith.constant 0 : i32
    %c0_i32_1 = arith.constant 0 : i32
    %c0_i32_2 = arith.constant 0 : i32
    return %get3A_0, %c0_i32, %c0_i32_1 : i32, i32, i32
  }
  func.func @transform_3(%arg0: i32, %arg1: memref<40xi32, #tpu.memory_space<smem>>, %arg2: memref<8xf32, #tpu.memory_space<smem>>, %arg3: memref<8xf32, #tpu.memory_space<smem>>, %arg4: memref<8xf32, #tpu.memory_space<smem>>) -> (i32, i32, i32) {
    %get3A = arith.index_cast %arg0 : i32 to index
    %get3A_0 = memref.load %arg1[%get3A] : memref<40xi32, #tpu.memory_space<smem>>
    %c0_i32 = arith.constant 0 : i32
    %c0_i32_1 = arith.constant 0 : i32
    %c0_i32_2 = arith.constant 0 : i32
    return %get3A_0, %c0_i32, %c0_i32_1 : i32, i32, i32
  }
  func.func @transform_4(%arg0: i32, %arg1: memref<40xi32, #tpu.memory_space<smem>>, %arg2: memref<8xf32, #tpu.memory_space<smem>>, %arg3: memref<8xf32, #tpu.memory_space<smem>>, %arg4: memref<8xf32, #tpu.memory_space<smem>>) -> (i32, i32) {
    %c0_i32 = arith.constant 0 : i32
    %c0_i32_0 = arith.constant 0 : i32
    return %arg0, %c0_i32 : i32, i32
  }
}

module attributes {stable_mosaic.version = 14 : i64} {
  func.func @_plan_body(%arg0: memref<2048x1024xf32, #tpu.memory_space<vmem>>, %arg1: memref<1024x8xf32, #tpu.memory_space<vmem>>, %arg2: memref<16x128xi32, #tpu.memory_space<vmem>>, %arg3: memref<16x128xi32, #tpu.memory_space<vmem>>, %arg4: memref<2048x1xf32, #tpu.memory_space<vmem>>, %arg5: memref<2048x1xf32, #tpu.memory_space<vmem>>, %arg6: memref<1x128xi32, #tpu.memory_space<vmem>>) attributes {dimension_semantics = [], scalar_prefetch = 0 : i64, scratch_operands = 0 : i64, tpu.core_type = #tpu.core_type<tc>} {
    %get3A = arith.constant 0 : index
    %get3A_0 = arith.constant 0 : index
    %get3A_1 = vector.load %arg0[%get3A, %get3A_0] : memref<2048x1024xf32, #tpu.memory_space<vmem>>, vector<2048x1024xf32>
    %get3A_2 = arith.constant 0 : index
    %get3A_3 = arith.constant 0 : index
    %get3A_4 = vector.load %arg1[%get3A_2, %get3A_3] : memref<1024x8xf32, #tpu.memory_space<vmem>>, vector<1024x8xf32>
    %dot_general3A = arith.constant dense<0.000000e+00> : vector<2048x8xf32>
    %dot_general3A_5 = tpu.matmul %get3A_1, %get3A_4, %dot_general3A {dimension_numbers = #tpu.dot_dimension_numbers<[1], [0], [0], [1], [0, 0, 1, 1], [], []>, transpose_lhs_hint = false} : vector<2048x1024xf32>, vector<1024x8xf32>, vector<2048x8xf32> -> vector<2048x8xf32>
    %reduce_max3A = arith.constant dense<0xFF800000> : vector<2048xf32>
    %reduce_max3A_6 = vector.multi_reduction <maximumf>, %dot_general3A_5, %reduce_max3A [1] : vector<2048x8xf32> to vector<2048xf32>
    %max3A = arith.constant 0xFF800000 : f32
    %max3A_7 = vector.broadcast %max3A : f32 to vector<2048xf32>
    %max3A_8 = arith.maximumf %max3A_7, %reduce_max3A_6 : vector<2048xf32>
    %broadcast_in_dim3A = vector.shape_cast %max3A_8 : vector<2048xf32> to vector<2048x1xf32>
    %sub3A = vector.broadcast %broadcast_in_dim3A : vector<2048x1xf32> to vector<2048x8xf32>
    %sub3A_9 = arith.subf %dot_general3A_5, %sub3A : vector<2048x8xf32>
    %exp3A = math.exp %sub3A_9 : vector<2048x8xf32>
    %reduce_sum3A = arith.constant dense<0.000000e+00> : vector<2048xf32>
    %reduce_sum3A_10 = vector.multi_reduction <add>, %exp3A, %reduce_sum3A [1] : vector<2048x8xf32> to vector<2048xf32>
    %broadcast_in_dim3A_11 = vector.shape_cast %reduce_sum3A_10 : vector<2048xf32> to vector<2048x1xf32>
    %div3A = vector.broadcast %broadcast_in_dim3A_11 : vector<2048x1xf32> to vector<2048x8xf32>
    %div3A_12 = arith.divf %exp3A, %div3A : vector<2048x8xf32>
    %iota3A = tpu.iota {dimensions = array<i32: 1>} : vector<2048x8xi32>
    %reduce_max3A_13 = arith.constant dense<0xFF800000> : vector<2048xf32>
    %reduce_max3A_14 = vector.multi_reduction <maximumf>, %div3A_12, %reduce_max3A_13 [1] : vector<2048x8xf32> to vector<2048xf32>
    %broadcast_in_dim3A_15 = vector.shape_cast %reduce_max3A_14 : vector<2048xf32> to vector<2048x1xf32>
    %eq3A = vector.broadcast %broadcast_in_dim3A_15 : vector<2048x1xf32> to vector<2048x8xf32>
    %eq3A_16 = arith.cmpf oeq, %div3A_12, %eq3A : vector<2048x8xf32>
    %jit3A = arith.constant 8 : i32
    %broadcast_in_dim3A_17 = vector.broadcast %jit3A : i32 to vector<2048x8xi32>
    %select_n3A = arith.select %eq3A_16, %iota3A, %broadcast_in_dim3A_17 : vector<2048x8xi1>, vector<2048x8xi32>
    %reduce_min3A = arith.constant dense<2147483647> : vector<2048xi32>
    %reduce_min3A_18 = vector.multi_reduction <minsi>, %select_n3A, %reduce_min3A [1] : vector<2048x8xi32> to vector<2048xi32>
    %broadcast_in_dim3A_19 = vector.shape_cast %reduce_min3A_18 : vector<2048xi32> to vector<2048x1xi32>
    %eq3A_20 = vector.broadcast %broadcast_in_dim3A_19 : vector<2048x1xi32> to vector<2048x8xi32>
    %eq3A_21 = arith.cmpi eq, %iota3A, %eq3A_20 : vector<2048x8xi32>
    %convert_element_type3A = arith.extui %eq3A_21 : vector<2048x8xi1> to vector<2048x8xi32>
    %convert_element_type3A_22 = arith.sitofp %convert_element_type3A : vector<2048x8xi32> to vector<2048x8xf32>
    %eq3A_23 = vector.broadcast %broadcast_in_dim3A_19 : vector<2048x1xi32> to vector<2048x8xi32>
    %eq3A_24 = arith.cmpi eq, %iota3A, %eq3A_23 : vector<2048x8xi32>
    %jit3A_25 = arith.constant 0xFF800000 : f32
    %broadcast_in_dim3A_26 = vector.broadcast %jit3A_25 : f32 to vector<2048x8xf32>
    %select_n3A_27 = arith.select %eq3A_24, %broadcast_in_dim3A_26, %div3A_12 : vector<2048x8xi1>, vector<2048x8xf32>
    %reduce_max3A_28 = arith.constant dense<0xFF800000> : vector<2048xf32>
    %reduce_max3A_29 = vector.multi_reduction <maximumf>, %select_n3A_27, %reduce_max3A_28 [1] : vector<2048x8xf32> to vector<2048xf32>
    %broadcast_in_dim3A_30 = vector.shape_cast %reduce_max3A_29 : vector<2048xf32> to vector<2048x1xf32>
    %eq3A_31 = vector.broadcast %broadcast_in_dim3A_30 : vector<2048x1xf32> to vector<2048x8xf32>
    %eq3A_32 = arith.cmpf oeq, %select_n3A_27, %eq3A_31 : vector<2048x8xf32>
    %jit3A_33 = arith.constant 8 : i32
    %broadcast_in_dim3A_34 = vector.broadcast %jit3A_33 : i32 to vector<2048x8xi32>
    %select_n3A_35 = arith.select %eq3A_32, %iota3A, %broadcast_in_dim3A_34 : vector<2048x8xi1>, vector<2048x8xi32>
    %reduce_min3A_36 = arith.constant dense<2147483647> : vector<2048xi32>
    %reduce_min3A_37 = vector.multi_reduction <minsi>, %select_n3A_35, %reduce_min3A_36 [1] : vector<2048x8xi32> to vector<2048xi32>
    %broadcast_in_dim3A_38 = vector.shape_cast %reduce_min3A_37 : vector<2048xi32> to vector<2048x1xi32>
    %eq3A_39 = vector.broadcast %broadcast_in_dim3A_38 : vector<2048x1xi32> to vector<2048x8xi32>
    %eq3A_40 = arith.cmpi eq, %iota3A, %eq3A_39 : vector<2048x8xi32>
    %convert_element_type3A_41 = arith.extui %eq3A_40 : vector<2048x8xi1> to vector<2048x8xi32>
    %convert_element_type3A_42 = arith.sitofp %convert_element_type3A_41 : vector<2048x8xi32> to vector<2048x8xf32>
    %mul3A = arith.mulf %div3A_12, %convert_element_type3A_22 : vector<2048x8xf32>
    %reduce_sum3A_43 = arith.constant dense<0.000000e+00> : vector<2048xf32>
    %reduce_sum3A_44 = vector.multi_reduction <add>, %mul3A, %reduce_sum3A_43 [1] : vector<2048x8xf32> to vector<2048xf32>
    %broadcast_in_dim3A_45 = vector.shape_cast %reduce_sum3A_44 : vector<2048xf32> to vector<2048x1xf32>
    %mul3A_46 = arith.mulf %div3A_12, %convert_element_type3A_42 : vector<2048x8xf32>
    %reduce_sum3A_47 = arith.constant dense<0.000000e+00> : vector<2048xf32>
    %reduce_sum3A_48 = vector.multi_reduction <add>, %mul3A_46, %reduce_sum3A_47 [1] : vector<2048x8xf32> to vector<2048xf32>
    %broadcast_in_dim3A_49 = vector.shape_cast %reduce_sum3A_48 : vector<2048xf32> to vector<2048x1xf32>
    %broadcast_in_dim3A_50 = arith.constant 0.000000e+00 : f32
    %broadcast_in_dim3A_51 = vector.broadcast %broadcast_in_dim3A_50 : f32 to vector<1x8xf32>
    %slice3A = vector.extract_strided_slice %convert_element_type3A_22 {offsets = [0, 0], sizes = [2047, 8], strides = [1, 1]} : vector<2048x8xf32> to vector<2047x8xf32>
    %concatenate3A = tpu.concatenate %broadcast_in_dim3A_51, %slice3A in 0 : vector<1x8xf32>, vector<2047x8xf32> -> vector<2048x8xf32>
    %add3A = arith.addf %convert_element_type3A_22, %concatenate3A : vector<2048x8xf32>
    %broadcast_in_dim3A_52 = arith.constant 0.000000e+00 : f32
    %broadcast_in_dim3A_53 = vector.broadcast %broadcast_in_dim3A_52 : f32 to vector<2x8xf32>
    %slice3A_54 = vector.extract_strided_slice %add3A {offsets = [0, 0], sizes = [2046, 8], strides = [1, 1]} : vector<2048x8xf32> to vector<2046x8xf32>
    %concatenate3A_55 = tpu.concatenate %broadcast_in_dim3A_53, %slice3A_54 in 0 : vector<2x8xf32>, vector<2046x8xf32> -> vector<2048x8xf32>
    %add3A_56 = arith.addf %add3A, %concatenate3A_55 : vector<2048x8xf32>
    %broadcast_in_dim3A_57 = arith.constant 0.000000e+00 : f32
    %broadcast_in_dim3A_58 = vector.broadcast %broadcast_in_dim3A_57 : f32 to vector<4x8xf32>
    %slice3A_59 = vector.extract_strided_slice %add3A_56 {offsets = [0, 0], sizes = [2044, 8], strides = [1, 1]} : vector<2048x8xf32> to vector<2044x8xf32>
    %concatenate3A_60 = tpu.concatenate %broadcast_in_dim3A_58, %slice3A_59 in 0 : vector<4x8xf32>, vector<2044x8xf32> -> vector<2048x8xf32>
    %add3A_61 = arith.addf %add3A_56, %concatenate3A_60 : vector<2048x8xf32>
    %broadcast_in_dim3A_62 = arith.constant 0.000000e+00 : f32
    %broadcast_in_dim3A_63 = vector.broadcast %broadcast_in_dim3A_62 : f32 to vector<8x8xf32>
    %slice3A_64 = vector.extract_strided_slice %add3A_61 {offsets = [0, 0], sizes = [2040, 8], strides = [1, 1]} : vector<2048x8xf32> to vector<2040x8xf32>
    %concatenate3A_65 = tpu.concatenate %broadcast_in_dim3A_63, %slice3A_64 in 0 : vector<8x8xf32>, vector<2040x8xf32> -> vector<2048x8xf32>
    %add3A_66 = arith.addf %add3A_61, %concatenate3A_65 : vector<2048x8xf32>
    %broadcast_in_dim3A_67 = arith.constant 0.000000e+00 : f32
    %broadcast_in_dim3A_68 = vector.broadcast %broadcast_in_dim3A_67 : f32 to vector<16x8xf32>
    %slice3A_69 = vector.extract_strided_slice %add3A_66 {offsets = [0, 0], sizes = [2032, 8], strides = [1, 1]} : vector<2048x8xf32> to vector<2032x8xf32>
    %concatenate3A_70 = tpu.concatenate %broadcast_in_dim3A_68, %slice3A_69 in 0 : vector<16x8xf32>, vector<2032x8xf32> -> vector<2048x8xf32>
    %add3A_71 = arith.addf %add3A_66, %concatenate3A_70 : vector<2048x8xf32>
    %broadcast_in_dim3A_72 = arith.constant 0.000000e+00 : f32
    %broadcast_in_dim3A_73 = vector.broadcast %broadcast_in_dim3A_72 : f32 to vector<32x8xf32>
    %slice3A_74 = vector.extract_strided_slice %add3A_71 {offsets = [0, 0], sizes = [2016, 8], strides = [1, 1]} : vector<2048x8xf32> to vector<2016x8xf32>
    %concatenate3A_75 = tpu.concatenate %broadcast_in_dim3A_73, %slice3A_74 in 0 : vector<32x8xf32>, vector<2016x8xf32> -> vector<2048x8xf32>
    %add3A_76 = arith.addf %add3A_71, %concatenate3A_75 : vector<2048x8xf32>
    %broadcast_in_dim3A_77 = arith.constant 0.000000e+00 : f32
    %broadcast_in_dim3A_78 = vector.broadcast %broadcast_in_dim3A_77 : f32 to vector<64x8xf32>
    %slice3A_79 = vector.extract_strided_slice %add3A_76 {offsets = [0, 0], sizes = [1984, 8], strides = [1, 1]} : vector<2048x8xf32> to vector<1984x8xf32>
    %concatenate3A_80 = tpu.concatenate %broadcast_in_dim3A_78, %slice3A_79 in 0 : vector<64x8xf32>, vector<1984x8xf32> -> vector<2048x8xf32>
    %add3A_81 = arith.addf %add3A_76, %concatenate3A_80 : vector<2048x8xf32>
    %broadcast_in_dim3A_82 = arith.constant 0.000000e+00 : f32
    %broadcast_in_dim3A_83 = vector.broadcast %broadcast_in_dim3A_82 : f32 to vector<128x8xf32>
    %slice3A_84 = vector.extract_strided_slice %add3A_81 {offsets = [0, 0], sizes = [1920, 8], strides = [1, 1]} : vector<2048x8xf32> to vector<1920x8xf32>
    %concatenate3A_85 = tpu.concatenate %broadcast_in_dim3A_83, %slice3A_84 in 0 : vector<128x8xf32>, vector<1920x8xf32> -> vector<2048x8xf32>
    %add3A_86 = arith.addf %add3A_81, %concatenate3A_85 : vector<2048x8xf32>
    %broadcast_in_dim3A_87 = arith.constant 0.000000e+00 : f32
    %broadcast_in_dim3A_88 = vector.broadcast %broadcast_in_dim3A_87 : f32 to vector<256x8xf32>
    %slice3A_89 = vector.extract_strided_slice %add3A_86 {offsets = [0, 0], sizes = [1792, 8], strides = [1, 1]} : vector<2048x8xf32> to vector<1792x8xf32>
    %concatenate3A_90 = tpu.concatenate %broadcast_in_dim3A_88, %slice3A_89 in 0 : vector<256x8xf32>, vector<1792x8xf32> -> vector<2048x8xf32>
    %add3A_91 = arith.addf %add3A_86, %concatenate3A_90 : vector<2048x8xf32>
    %broadcast_in_dim3A_92 = arith.constant 0.000000e+00 : f32
    %broadcast_in_dim3A_93 = vector.broadcast %broadcast_in_dim3A_92 : f32 to vector<512x8xf32>
    %slice3A_94 = vector.extract_strided_slice %add3A_91 {offsets = [0, 0], sizes = [1536, 8], strides = [1, 1]} : vector<2048x8xf32> to vector<1536x8xf32>
    %concatenate3A_95 = tpu.concatenate %broadcast_in_dim3A_93, %slice3A_94 in 0 : vector<512x8xf32>, vector<1536x8xf32> -> vector<2048x8xf32>
    %add3A_96 = arith.addf %add3A_91, %concatenate3A_95 : vector<2048x8xf32>
    %broadcast_in_dim3A_97 = arith.constant 0.000000e+00 : f32
    %broadcast_in_dim3A_98 = vector.broadcast %broadcast_in_dim3A_97 : f32 to vector<1024x8xf32>
    %slice3A_99 = vector.extract_strided_slice %add3A_96 {offsets = [0, 0], sizes = [1024, 8], strides = [1, 1]} : vector<2048x8xf32> to vector<1024x8xf32>
    %concatenate3A_100 = tpu.concatenate %broadcast_in_dim3A_98, %slice3A_99 in 0 : vector<1024x8xf32>, vector<1024x8xf32> -> vector<2048x8xf32>
    %add3A_101 = arith.addf %add3A_96, %concatenate3A_100 : vector<2048x8xf32>
    %broadcast_in_dim3A_102 = arith.constant 0.000000e+00 : f32
    %broadcast_in_dim3A_103 = vector.broadcast %broadcast_in_dim3A_102 : f32 to vector<1x8xf32>
    %slice3A_104 = vector.extract_strided_slice %convert_element_type3A_42 {offsets = [0, 0], sizes = [2047, 8], strides = [1, 1]} : vector<2048x8xf32> to vector<2047x8xf32>
    %concatenate3A_105 = tpu.concatenate %broadcast_in_dim3A_103, %slice3A_104 in 0 : vector<1x8xf32>, vector<2047x8xf32> -> vector<2048x8xf32>
    %add3A_106 = arith.addf %convert_element_type3A_42, %concatenate3A_105 : vector<2048x8xf32>
    %broadcast_in_dim3A_107 = arith.constant 0.000000e+00 : f32
    %broadcast_in_dim3A_108 = vector.broadcast %broadcast_in_dim3A_107 : f32 to vector<2x8xf32>
    %slice3A_109 = vector.extract_strided_slice %add3A_106 {offsets = [0, 0], sizes = [2046, 8], strides = [1, 1]} : vector<2048x8xf32> to vector<2046x8xf32>
    %concatenate3A_110 = tpu.concatenate %broadcast_in_dim3A_108, %slice3A_109 in 0 : vector<2x8xf32>, vector<2046x8xf32> -> vector<2048x8xf32>
    %add3A_111 = arith.addf %add3A_106, %concatenate3A_110 : vector<2048x8xf32>
    %broadcast_in_dim3A_112 = arith.constant 0.000000e+00 : f32
    %broadcast_in_dim3A_113 = vector.broadcast %broadcast_in_dim3A_112 : f32 to vector<4x8xf32>
    %slice3A_114 = vector.extract_strided_slice %add3A_111 {offsets = [0, 0], sizes = [2044, 8], strides = [1, 1]} : vector<2048x8xf32> to vector<2044x8xf32>
    %concatenate3A_115 = tpu.concatenate %broadcast_in_dim3A_113, %slice3A_114 in 0 : vector<4x8xf32>, vector<2044x8xf32> -> vector<2048x8xf32>
    %add3A_116 = arith.addf %add3A_111, %concatenate3A_115 : vector<2048x8xf32>
    %broadcast_in_dim3A_117 = arith.constant 0.000000e+00 : f32
    %broadcast_in_dim3A_118 = vector.broadcast %broadcast_in_dim3A_117 : f32 to vector<8x8xf32>
    %slice3A_119 = vector.extract_strided_slice %add3A_116 {offsets = [0, 0], sizes = [2040, 8], strides = [1, 1]} : vector<2048x8xf32> to vector<2040x8xf32>
    %concatenate3A_120 = tpu.concatenate %broadcast_in_dim3A_118, %slice3A_119 in 0 : vector<8x8xf32>, vector<2040x8xf32> -> vector<2048x8xf32>
    %add3A_121 = arith.addf %add3A_116, %concatenate3A_120 : vector<2048x8xf32>
    %broadcast_in_dim3A_122 = arith.constant 0.000000e+00 : f32
    %broadcast_in_dim3A_123 = vector.broadcast %broadcast_in_dim3A_122 : f32 to vector<16x8xf32>
    %slice3A_124 = vector.extract_strided_slice %add3A_121 {offsets = [0, 0], sizes = [2032, 8], strides = [1, 1]} : vector<2048x8xf32> to vector<2032x8xf32>
    %concatenate3A_125 = tpu.concatenate %broadcast_in_dim3A_123, %slice3A_124 in 0 : vector<16x8xf32>, vector<2032x8xf32> -> vector<2048x8xf32>
    %add3A_126 = arith.addf %add3A_121, %concatenate3A_125 : vector<2048x8xf32>
    %broadcast_in_dim3A_127 = arith.constant 0.000000e+00 : f32
    %broadcast_in_dim3A_128 = vector.broadcast %broadcast_in_dim3A_127 : f32 to vector<32x8xf32>
    %slice3A_129 = vector.extract_strided_slice %add3A_126 {offsets = [0, 0], sizes = [2016, 8], strides = [1, 1]} : vector<2048x8xf32> to vector<2016x8xf32>
    %concatenate3A_130 = tpu.concatenate %broadcast_in_dim3A_128, %slice3A_129 in 0 : vector<32x8xf32>, vector<2016x8xf32> -> vector<2048x8xf32>
    %add3A_131 = arith.addf %add3A_126, %concatenate3A_130 : vector<2048x8xf32>
    %broadcast_in_dim3A_132 = arith.constant 0.000000e+00 : f32
    %broadcast_in_dim3A_133 = vector.broadcast %broadcast_in_dim3A_132 : f32 to vector<64x8xf32>
    %slice3A_134 = vector.extract_strided_slice %add3A_131 {offsets = [0, 0], sizes = [1984, 8], strides = [1, 1]} : vector<2048x8xf32> to vector<1984x8xf32>
    %concatenate3A_135 = tpu.concatenate %broadcast_in_dim3A_133, %slice3A_134 in 0 : vector<64x8xf32>, vector<1984x8xf32> -> vector<2048x8xf32>
    %add3A_136 = arith.addf %add3A_131, %concatenate3A_135 : vector<2048x8xf32>
    %broadcast_in_dim3A_137 = arith.constant 0.000000e+00 : f32
    %broadcast_in_dim3A_138 = vector.broadcast %broadcast_in_dim3A_137 : f32 to vector<128x8xf32>
    %slice3A_139 = vector.extract_strided_slice %add3A_136 {offsets = [0, 0], sizes = [1920, 8], strides = [1, 1]} : vector<2048x8xf32> to vector<1920x8xf32>
    %concatenate3A_140 = tpu.concatenate %broadcast_in_dim3A_138, %slice3A_139 in 0 : vector<128x8xf32>, vector<1920x8xf32> -> vector<2048x8xf32>
    %add3A_141 = arith.addf %add3A_136, %concatenate3A_140 : vector<2048x8xf32>
    %broadcast_in_dim3A_142 = arith.constant 0.000000e+00 : f32
    %broadcast_in_dim3A_143 = vector.broadcast %broadcast_in_dim3A_142 : f32 to vector<256x8xf32>
    %slice3A_144 = vector.extract_strided_slice %add3A_141 {offsets = [0, 0], sizes = [1792, 8], strides = [1, 1]} : vector<2048x8xf32> to vector<1792x8xf32>
    %concatenate3A_145 = tpu.concatenate %broadcast_in_dim3A_143, %slice3A_144 in 0 : vector<256x8xf32>, vector<1792x8xf32> -> vector<2048x8xf32>
    %add3A_146 = arith.addf %add3A_141, %concatenate3A_145 : vector<2048x8xf32>
    %broadcast_in_dim3A_147 = arith.constant 0.000000e+00 : f32
    %broadcast_in_dim3A_148 = vector.broadcast %broadcast_in_dim3A_147 : f32 to vector<512x8xf32>
    %slice3A_149 = vector.extract_strided_slice %add3A_146 {offsets = [0, 0], sizes = [1536, 8], strides = [1, 1]} : vector<2048x8xf32> to vector<1536x8xf32>
    %concatenate3A_150 = tpu.concatenate %broadcast_in_dim3A_148, %slice3A_149 in 0 : vector<512x8xf32>, vector<1536x8xf32> -> vector<2048x8xf32>
    %add3A_151 = arith.addf %add3A_146, %concatenate3A_150 : vector<2048x8xf32>
    %broadcast_in_dim3A_152 = arith.constant 0.000000e+00 : f32
    %broadcast_in_dim3A_153 = vector.broadcast %broadcast_in_dim3A_152 : f32 to vector<1024x8xf32>
    %slice3A_154 = vector.extract_strided_slice %add3A_151 {offsets = [0, 0], sizes = [1024, 8], strides = [1, 1]} : vector<2048x8xf32> to vector<1024x8xf32>
    %concatenate3A_155 = tpu.concatenate %broadcast_in_dim3A_153, %slice3A_154 in 0 : vector<1024x8xf32>, vector<1024x8xf32> -> vector<2048x8xf32>
    %add3A_156 = arith.addf %add3A_151, %concatenate3A_155 : vector<2048x8xf32>
    %sub3A_157 = arith.subf %add3A_101, %convert_element_type3A_22 : vector<2048x8xf32>
    %sub3A_158 = arith.subf %add3A_156, %convert_element_type3A_42 : vector<2048x8xf32>
    %slice3A_159 = vector.extract_strided_slice %add3A_101 {offsets = [2047, 0], sizes = [1, 8], strides = [1, 1]} : vector<2048x8xf32> to vector<1x8xf32>
    %slice3A_160 = vector.extract_strided_slice %add3A_156 {offsets = [2047, 0], sizes = [1, 8], strides = [1, 1]} : vector<2048x8xf32> to vector<1x8xf32>
    %add3A_161 = arith.addf %slice3A_159, %slice3A_160 : vector<1x8xf32>
    %mul3A_162 = arith.constant 7.812500e-03 : f32
    %mul3A_163 = vector.broadcast %mul3A_162 : f32 to vector<1x8xf32>
    %mul3A_164 = arith.mulf %add3A_161, %mul3A_163 : vector<1x8xf32>
    %ceil3A = math.ceil %mul3A_164 : vector<1x8xf32>
    %iota3A_165 = tpu.iota {dimensions = array<i32: 0>} : vector<8x8xi32>
    %iota3A_166 = tpu.iota {dimensions = array<i32: 1>} : vector<8x8xi32>
    %le3A = arith.cmpi sle, %iota3A_165, %iota3A_166 : vector<8x8xi32>
    %convert_element_type3A_167 = arith.extui %le3A : vector<8x8xi1> to vector<8x8xi32>
    %convert_element_type3A_168 = arith.sitofp %convert_element_type3A_167 : vector<8x8xi32> to vector<8x8xf32>
    %dot_general3A_169 = arith.constant dense<0.000000e+00> : vector<1x8xf32>
    %dot_general3A_170 = tpu.matmul %ceil3A, %convert_element_type3A_168, %dot_general3A_169 {dimension_numbers = #tpu.dot_dimension_numbers<[1], [0], [0], [1], [0, 0, 1, 1], [], []>, transpose_lhs_hint = false} : vector<1x8xf32>, vector<8x8xf32>, vector<1x8xf32> -> vector<1x8xf32>
    %sub3A_171 = arith.subf %dot_general3A_170, %ceil3A : vector<1x8xf32>
    %mul3A_172 = arith.constant 1.280000e+02 : f32
    %mul3A_173 = vector.broadcast %mul3A_172 : f32 to vector<1x8xf32>
    %mul3A_174 = arith.mulf %sub3A_171, %mul3A_173 : vector<1x8xf32>
    %mul3A_175 = vector.broadcast %mul3A_174 : vector<1x8xf32> to vector<2048x8xf32>
    %mul3A_176 = arith.mulf %convert_element_type3A_22, %mul3A_175 : vector<2048x8xf32>
    %reduce_sum3A_177 = arith.constant dense<0.000000e+00> : vector<2048xf32>
    %reduce_sum3A_178 = vector.multi_reduction <add>, %mul3A_176, %reduce_sum3A_177 [1] : vector<2048x8xf32> to vector<2048xf32>
    %broadcast_in_dim3A_179 = vector.shape_cast %reduce_sum3A_178 : vector<2048xf32> to vector<2048x1xf32>
    %add3A_180 = arith.addf %mul3A_174, %slice3A_159 : vector<1x8xf32>
    %mul3A_181 = vector.broadcast %add3A_180 : vector<1x8xf32> to vector<2048x8xf32>
    %mul3A_182 = arith.mulf %convert_element_type3A_42, %mul3A_181 : vector<2048x8xf32>
    %reduce_sum3A_183 = arith.constant dense<0.000000e+00> : vector<2048xf32>
    %reduce_sum3A_184 = vector.multi_reduction <add>, %mul3A_182, %reduce_sum3A_183 [1] : vector<2048x8xf32> to vector<2048xf32>
    %broadcast_in_dim3A_185 = vector.shape_cast %reduce_sum3A_184 : vector<2048xf32> to vector<2048x1xf32>
    %mul3A_186 = arith.mulf %convert_element_type3A_22, %sub3A_157 : vector<2048x8xf32>
    %reduce_sum3A_187 = arith.constant dense<0.000000e+00> : vector<2048xf32>
    %reduce_sum3A_188 = vector.multi_reduction <add>, %mul3A_186, %reduce_sum3A_187 [1] : vector<2048x8xf32> to vector<2048xf32>
    %broadcast_in_dim3A_189 = vector.shape_cast %reduce_sum3A_188 : vector<2048xf32> to vector<2048x1xf32>
    %mul3A_190 = arith.mulf %convert_element_type3A_42, %sub3A_158 : vector<2048x8xf32>
    %reduce_sum3A_191 = arith.constant dense<0.000000e+00> : vector<2048xf32>
    %reduce_sum3A_192 = vector.multi_reduction <add>, %mul3A_190, %reduce_sum3A_191 [1] : vector<2048x8xf32> to vector<2048xf32>
    %broadcast_in_dim3A_193 = vector.shape_cast %reduce_sum3A_192 : vector<2048xf32> to vector<2048x1xf32>
    %add3A_194 = arith.addf %broadcast_in_dim3A_179, %broadcast_in_dim3A_189 : vector<2048x1xf32>
    %add3A_195 = arith.addf %broadcast_in_dim3A_185, %broadcast_in_dim3A_193 : vector<2048x1xf32>
    %iota3A_196 = tpu.iota {dimensions = array<i32: 1>} : vector<2048x128xi32>
    %iota3A_197 = tpu.iota {dimensions = array<i32: 0>} : vector<2048x128xi32>
    %jit3A_198 = arith.constant 128 : i32
    %eq3A_199 = arith.constant 0 : i32
    %eq3A_200 = arith.cmpi eq, %jit3A_198, %eq3A_199 : i32
    %jit3A_201 = arith.constant 1 : i32
    %select_n3A_202 = arith.select %eq3A_200, %jit3A_201, %jit3A_198 : i32
    %rem3A = vector.broadcast %select_n3A_202 : i32 to vector<2048x128xi32>
    %rem3A_203 = arith.remsi %iota3A_197, %rem3A : vector<2048x128xi32>
    %ne3A = arith.constant 0 : i32
    %ne3A_204 = vector.broadcast %ne3A : i32 to vector<2048x128xi32>
    %ne3A_205 = arith.cmpi ne, %rem3A_203, %ne3A_204 : vector<2048x128xi32>
    %lt3A = arith.constant 0 : i32
    %lt3A_206 = vector.broadcast %lt3A : i32 to vector<2048x128xi32>
    %lt3A_207 = arith.cmpi slt, %rem3A_203, %lt3A_206 : vector<2048x128xi32>
    %lt3A_208 = arith.constant 0 : i32
    %lt3A_209 = arith.cmpi slt, %select_n3A_202, %lt3A_208 : i32
    %ne3A_210 = vector.broadcast %lt3A_209 : i1 to vector<2048x128xi1>
    %ne3A_211 = vector.broadcast %ne3A_210 : vector<2048x128xi1> to vector<2048x128xi1>
    %ne3A_212 = arith.xori %lt3A_207, %ne3A_211 : vector<2048x128xi1>
    %and3A = arith.andi %ne3A_212, %ne3A_205 : vector<2048x128xi1>
    %add3A_213 = vector.broadcast %select_n3A_202 : i32 to vector<2048x128xi32>
    %add3A_214 = arith.addi %rem3A_203, %add3A_213 : vector<2048x128xi32>
    %select_n3A_215 = arith.select %and3A, %add3A_214, %rem3A_203 : vector<2048x128xi1>, vector<2048x128xi32>
    %eq3A_216 = arith.cmpi eq, %iota3A_196, %select_n3A_215 : vector<2048x128xi32>
    %jit3A_217 = arith.constant 0.000000e+00 : f32
    %broadcast_in_dim3A_218 = vector.shape_cast %add3A_194 : vector<2048x1xf32> to vector<2048x1xf32>
    %broadcast_in_dim3A_219 = vector.broadcast %broadcast_in_dim3A_218 : vector<2048x1xf32> to vector<2048x128xf32>
    %broadcast_in_dim3A_220 = vector.broadcast %jit3A_217 : f32 to vector<2048x128xf32>
    %select_n3A_221 = arith.select %eq3A_216, %broadcast_in_dim3A_219, %broadcast_in_dim3A_220 : vector<2048x128xi1>, vector<2048x128xf32>
    %reshape3A = vector.shape_cast %select_n3A_221 : vector<2048x128xf32> to vector<16x128x128xf32>
    %reduce_sum3A_222 = arith.constant dense<0.000000e+00> : vector<16x128xf32>
    %reduce_sum3A_223 = vector.multi_reduction <add>, %reshape3A, %reduce_sum3A_222 [1] : vector<16x128x128xf32> to vector<16x128xf32>
    %convert_element_type3A_224 = arith.fptosi %reduce_sum3A_223 : vector<16x128xf32> to vector<16x128xi32>
    %swap3A = arith.constant 0 : index
    %swap3A_225 = arith.constant 0 : index
    %swap3A_226 = vector.load %arg2[%swap3A, %swap3A_225] : memref<16x128xi32, #tpu.memory_space<vmem>>, vector<16x128xi32>
    tpu.vector_store %arg2[%swap3A, %swap3A_225], %convert_element_type3A_224 {strides = array<i32>} : memref<16x128xi32, #tpu.memory_space<vmem>>, vector<16x128xi32>,
    %iota3A_227 = tpu.iota {dimensions = array<i32: 1>} : vector<2048x128xi32>
    %iota3A_228 = tpu.iota {dimensions = array<i32: 0>} : vector<2048x128xi32>
    %jit3A_229 = arith.constant 128 : i32
    %eq3A_230 = arith.constant 0 : i32
    %eq3A_231 = arith.cmpi eq, %jit3A_229, %eq3A_230 : i32
    %jit3A_232 = arith.constant 1 : i32
    %select_n3A_233 = arith.select %eq3A_231, %jit3A_232, %jit3A_229 : i32
    %rem3A_234 = vector.broadcast %select_n3A_233 : i32 to vector<2048x128xi32>
    %rem3A_235 = arith.remsi %iota3A_228, %rem3A_234 : vector<2048x128xi32>
    %ne3A_236 = arith.constant 0 : i32
    %ne3A_237 = vector.broadcast %ne3A_236 : i32 to vector<2048x128xi32>
    %ne3A_238 = arith.cmpi ne, %rem3A_235, %ne3A_237 : vector<2048x128xi32>
    %lt3A_239 = arith.constant 0 : i32
    %lt3A_240 = vector.broadcast %lt3A_239 : i32 to vector<2048x128xi32>
    %lt3A_241 = arith.cmpi slt, %rem3A_235, %lt3A_240 : vector<2048x128xi32>
    %lt3A_242 = arith.constant 0 : i32
    %lt3A_243 = arith.cmpi slt, %select_n3A_233, %lt3A_242 : i32
    %ne3A_244 = vector.broadcast %lt3A_243 : i1 to vector<2048x128xi1>
    %ne3A_245 = vector.broadcast %ne3A_244 : vector<2048x128xi1> to vector<2048x128xi1>
    %ne3A_246 = arith.xori %lt3A_241, %ne3A_245 : vector<2048x128xi1>
    %and3A_247 = arith.andi %ne3A_246, %ne3A_238 : vector<2048x128xi1>
    %add3A_248 = vector.broadcast %select_n3A_233 : i32 to vector<2048x128xi32>
    %add3A_249 = arith.addi %rem3A_235, %add3A_248 : vector<2048x128xi32>
    %select_n3A_250 = arith.select %and3A_247, %add3A_249, %rem3A_235 : vector<2048x128xi1>, vector<2048x128xi32>
    %eq3A_251 = arith.cmpi eq, %iota3A_227, %select_n3A_250 : vector<2048x128xi32>
    %jit3A_252 = arith.constant 0.000000e+00 : f32
    %broadcast_in_dim3A_253 = vector.shape_cast %add3A_195 : vector<2048x1xf32> to vector<2048x1xf32>
    %broadcast_in_dim3A_254 = vector.broadcast %broadcast_in_dim3A_253 : vector<2048x1xf32> to vector<2048x128xf32>
    %broadcast_in_dim3A_255 = vector.broadcast %jit3A_252 : f32 to vector<2048x128xf32>
    %select_n3A_256 = arith.select %eq3A_251, %broadcast_in_dim3A_254, %broadcast_in_dim3A_255 : vector<2048x128xi1>, vector<2048x128xf32>
    %reshape3A_257 = vector.shape_cast %select_n3A_256 : vector<2048x128xf32> to vector<16x128x128xf32>
    %reduce_sum3A_258 = arith.constant dense<0.000000e+00> : vector<16x128xf32>
    %reduce_sum3A_259 = vector.multi_reduction <add>, %reshape3A_257, %reduce_sum3A_258 [1] : vector<16x128x128xf32> to vector<16x128xf32>
    %convert_element_type3A_260 = arith.fptosi %reduce_sum3A_259 : vector<16x128xf32> to vector<16x128xi32>
    %swap3A_261 = arith.constant 0 : index
    %swap3A_262 = arith.constant 0 : index
    %swap3A_263 = vector.load %arg3[%swap3A_261, %swap3A_262] : memref<16x128xi32, #tpu.memory_space<vmem>>, vector<16x128xi32>
    tpu.vector_store %arg3[%swap3A_261, %swap3A_262], %convert_element_type3A_260 {strides = array<i32>} : memref<16x128xi32, #tpu.memory_space<vmem>>, vector<16x128xi32>,
    %mul3A_264 = arith.constant 2.500000e+00 : f32
    %mul3A_265 = vector.broadcast %mul3A_264 : f32 to vector<2048x1xf32>
    %mul3A_266 = arith.mulf %broadcast_in_dim3A_45, %mul3A_265 : vector<2048x1xf32>
    %swap3A_267 = arith.constant 0 : index
    %swap3A_268 = arith.constant 0 : index
    %swap3A_269 = vector.load %arg4[%swap3A_267, %swap3A_268] : memref<2048x1xf32, #tpu.memory_space<vmem>>, vector<2048x1xf32>
    tpu.vector_store %arg4[%swap3A_267, %swap3A_268], %mul3A_266 {strides = array<i32>} : memref<2048x1xf32, #tpu.memory_space<vmem>>, vector<2048x1xf32>,
    %mul3A_270 = arith.constant 2.500000e+00 : f32
    %mul3A_271 = vector.broadcast %mul3A_270 : f32 to vector<2048x1xf32>
    %mul3A_272 = arith.mulf %broadcast_in_dim3A_49, %mul3A_271 : vector<2048x1xf32>
    %swap3A_273 = arith.constant 0 : index
    %swap3A_274 = arith.constant 0 : index
    %swap3A_275 = vector.load %arg5[%swap3A_273, %swap3A_274] : memref<2048x1xf32, #tpu.memory_space<vmem>>, vector<2048x1xf32>
    tpu.vector_store %arg5[%swap3A_273, %swap3A_274], %mul3A_272 {strides = array<i32>} : memref<2048x1xf32, #tpu.memory_space<vmem>>, vector<2048x1xf32>,
    %iota3A_276 = tpu.iota {dimensions = array<i32: 1>} : vector<1x128xi32>
    %convert_element_type3A_277 = arith.sitofp %iota3A_276 : vector<1x128xi32> to vector<1x128xf32>
    %broadcast_in_dim3A_278 = arith.constant 0.000000e+00 : f32
    %broadcast_in_dim3A_279 = vector.broadcast %broadcast_in_dim3A_278 : f32 to vector<1x128xf32>
    %slice3A_280 = vector.extract_strided_slice %iota3A {offsets = [0, 0], sizes = [1, 8], strides = [1, 1]} : vector<2048x8xi32> to vector<1x8xi32>
    %eq3A_281 = arith.constant 0 : i32
    %eq3A_282 = vector.broadcast %eq3A_281 : i32 to vector<1x8xi32>
    %eq3A_283 = arith.cmpi eq, %slice3A_280, %eq3A_282 : vector<1x8xi32>
    %jit3A_284 = arith.constant 0.000000e+00 : f32
    %broadcast_in_dim3A_285 = vector.broadcast %jit3A_284 : f32 to vector<1x8xf32>
    %select_n3A_286 = arith.select %eq3A_283, %dot_general3A_170, %broadcast_in_dim3A_285 : vector<1x8xi1>, vector<1x8xf32>
    %reduce_sum3A_287 = vector.shape_cast %select_n3A_286 : vector<1x8xf32> to vector<1x1x8xf32>
    %reduce_sum3A_288 = arith.constant dense<0.000000e+00> : vector<1xf32>
    %reduce_sum3A_289 = vector.multi_reduction <add>, %reduce_sum3A_287, %reduce_sum3A_288 [1, 2] : vector<1x1x8xf32> to vector<1xf32>
    %reduce_sum3A_290 = vector.shape_cast %reduce_sum3A_289 : vector<1xf32> to vector<1x1x1xf32>
    %reduce_sum3A_291 = vector.extract %reduce_sum3A_290[0, 0, 0] : f32 from vector<1x1x1xf32>
    %ge3A = vector.broadcast %reduce_sum3A_291 : f32 to vector<1x128xf32>
    %ge3A_292 = arith.cmpf oge, %convert_element_type3A_277, %ge3A : vector<1x128xf32>
    %convert_element_type3A_293 = arith.extui %ge3A_292 : vector<1x128xi1> to vector<1x128xi32>
    %convert_element_type3A_294 = arith.sitofp %convert_element_type3A_293 : vector<1x128xi32> to vector<1x128xf32>
    %add3A_295 = arith.addf %broadcast_in_dim3A_279, %convert_element_type3A_294 : vector<1x128xf32>
    %slice3A_296 = vector.extract_strided_slice %iota3A {offsets = [0, 0], sizes = [1, 8], strides = [1, 1]} : vector<2048x8xi32> to vector<1x8xi32>
    %eq3A_297 = arith.constant 1 : i32
    %eq3A_298 = vector.broadcast %eq3A_297 : i32 to vector<1x8xi32>
    %eq3A_299 = arith.cmpi eq, %slice3A_296, %eq3A_298 : vector<1x8xi32>
    %jit3A_300 = arith.constant 0.000000e+00 : f32
    %broadcast_in_dim3A_301 = vector.broadcast %jit3A_300 : f32 to vector<1x8xf32>
    %select_n3A_302 = arith.select %eq3A_299, %dot_general3A_170, %broadcast_in_dim3A_301 : vector<1x8xi1>, vector<1x8xf32>
    %reduce_sum3A_303 = vector.shape_cast %select_n3A_302 : vector<1x8xf32> to vector<1x1x8xf32>
    %reduce_sum3A_304 = arith.constant dense<0.000000e+00> : vector<1xf32>
    %reduce_sum3A_305 = vector.multi_reduction <add>, %reduce_sum3A_303, %reduce_sum3A_304 [1, 2] : vector<1x1x8xf32> to vector<1xf32>
    %reduce_sum3A_306 = vector.shape_cast %reduce_sum3A_305 : vector<1xf32> to vector<1x1x1xf32>
    %reduce_sum3A_307 = vector.extract %reduce_sum3A_306[0, 0, 0] : f32 from vector<1x1x1xf32>
    %ge3A_308 = vector.broadcast %reduce_sum3A_307 : f32 to vector<1x128xf32>
    %ge3A_309 = arith.cmpf oge, %convert_element_type3A_277, %ge3A_308 : vector<1x128xf32>
    %convert_element_type3A_310 = arith.extui %ge3A_309 : vector<1x128xi1> to vector<1x128xi32>
    %convert_element_type3A_311 = arith.sitofp %convert_element_type3A_310 : vector<1x128xi32> to vector<1x128xf32>
    %add3A_312 = arith.addf %add3A_295, %convert_element_type3A_311 : vector<1x128xf32>
    %slice3A_313 = vector.extract_strided_slice %iota3A {offsets = [0, 0], sizes = [1, 8], strides = [1, 1]} : vector<2048x8xi32> to vector<1x8xi32>
    %eq3A_314 = arith.constant 2 : i32
    %eq3A_315 = vector.broadcast %eq3A_314 : i32 to vector<1x8xi32>
    %eq3A_316 = arith.cmpi eq, %slice3A_313, %eq3A_315 : vector<1x8xi32>
    %jit3A_317 = arith.constant 0.000000e+00 : f32
    %broadcast_in_dim3A_318 = vector.broadcast %jit3A_317 : f32 to vector<1x8xf32>
    %select_n3A_319 = arith.select %eq3A_316, %dot_general3A_170, %broadcast_in_dim3A_318 : vector<1x8xi1>, vector<1x8xf32>
    %reduce_sum3A_320 = vector.shape_cast %select_n3A_319 : vector<1x8xf32> to vector<1x1x8xf32>
    %reduce_sum3A_321 = arith.constant dense<0.000000e+00> : vector<1xf32>
    %reduce_sum3A_322 = vector.multi_reduction <add>, %reduce_sum3A_320, %reduce_sum3A_321 [1, 2] : vector<1x1x8xf32> to vector<1xf32>
    %reduce_sum3A_323 = vector.shape_cast %reduce_sum3A_322 : vector<1xf32> to vector<1x1x1xf32>
    %reduce_sum3A_324 = vector.extract %reduce_sum3A_323[0, 0, 0] : f32 from vector<1x1x1xf32>
    %ge3A_325 = vector.broadcast %reduce_sum3A_324 : f32 to vector<1x128xf32>
    %ge3A_326 = arith.cmpf oge, %convert_element_type3A_277, %ge3A_325 : vector<1x128xf32>
    %convert_element_type3A_327 = arith.extui %ge3A_326 : vector<1x128xi1> to vector<1x128xi32>
    %convert_element_type3A_328 = arith.sitofp %convert_element_type3A_327 : vector<1x128xi32> to vector<1x128xf32>
    %add3A_329 = arith.addf %add3A_312, %convert_element_type3A_328 : vector<1x128xf32>
    %slice3A_330 = vector.extract_strided_slice %iota3A {offsets = [0, 0], sizes = [1, 8], strides = [1, 1]} : vector<2048x8xi32> to vector<1x8xi32>
    %eq3A_331 = arith.constant 3 : i32
    %eq3A_332 = vector.broadcast %eq3A_331 : i32 to vector<1x8xi32>
    %eq3A_333 = arith.cmpi eq, %slice3A_330, %eq3A_332 : vector<1x8xi32>
    %jit3A_334 = arith.constant 0.000000e+00 : f32
    %broadcast_in_dim3A_335 = vector.broadcast %jit3A_334 : f32 to vector<1x8xf32>
    %select_n3A_336 = arith.select %eq3A_333, %dot_general3A_170, %broadcast_in_dim3A_335 : vector<1x8xi1>, vector<1x8xf32>
    %reduce_sum3A_337 = vector.shape_cast %select_n3A_336 : vector<1x8xf32> to vector<1x1x8xf32>
    %reduce_sum3A_338 = arith.constant dense<0.000000e+00> : vector<1xf32>
    %reduce_sum3A_339 = vector.multi_reduction <add>, %reduce_sum3A_337, %reduce_sum3A_338 [1, 2] : vector<1x1x8xf32> to vector<1xf32>
    %reduce_sum3A_340 = vector.shape_cast %reduce_sum3A_339 : vector<1xf32> to vector<1x1x1xf32>
    %reduce_sum3A_341 = vector.extract %reduce_sum3A_340[0, 0, 0] : f32 from vector<1x1x1xf32>
    %ge3A_342 = vector.broadcast %reduce_sum3A_341 : f32 to vector<1x128xf32>
    %ge3A_343 = arith.cmpf oge, %convert_element_type3A_277, %ge3A_342 : vector<1x128xf32>
    %convert_element_type3A_344 = arith.extui %ge3A_343 : vector<1x128xi1> to vector<1x128xi32>
    %convert_element_type3A_345 = arith.sitofp %convert_element_type3A_344 : vector<1x128xi32> to vector<1x128xf32>
    %add3A_346 = arith.addf %add3A_329, %convert_element_type3A_345 : vector<1x128xf32>
    %slice3A_347 = vector.extract_strided_slice %iota3A {offsets = [0, 0], sizes = [1, 8], strides = [1, 1]} : vector<2048x8xi32> to vector<1x8xi32>
    %eq3A_348 = arith.constant 4 : i32
    %eq3A_349 = vector.broadcast %eq3A_348 : i32 to vector<1x8xi32>
    %eq3A_350 = arith.cmpi eq, %slice3A_347, %eq3A_349 : vector<1x8xi32>
    %jit3A_351 = arith.constant 0.000000e+00 : f32
    %broadcast_in_dim3A_352 = vector.broadcast %jit3A_351 : f32 to vector<1x8xf32>
    %select_n3A_353 = arith.select %eq3A_350, %dot_general3A_170, %broadcast_in_dim3A_352 : vector<1x8xi1>, vector<1x8xf32>
    %reduce_sum3A_354 = vector.shape_cast %select_n3A_353 : vector<1x8xf32> to vector<1x1x8xf32>
    %reduce_sum3A_355 = arith.constant dense<0.000000e+00> : vector<1xf32>
    %reduce_sum3A_356 = vector.multi_reduction <add>, %reduce_sum3A_354, %reduce_sum3A_355 [1, 2] : vector<1x1x8xf32> to vector<1xf32>
    %reduce_sum3A_357 = vector.shape_cast %reduce_sum3A_356 : vector<1xf32> to vector<1x1x1xf32>
    %reduce_sum3A_358 = vector.extract %reduce_sum3A_357[0, 0, 0] : f32 from vector<1x1x1xf32>
    %ge3A_359 = vector.broadcast %reduce_sum3A_358 : f32 to vector<1x128xf32>
    %ge3A_360 = arith.cmpf oge, %convert_element_type3A_277, %ge3A_359 : vector<1x128xf32>
    %convert_element_type3A_361 = arith.extui %ge3A_360 : vector<1x128xi1> to vector<1x128xi32>
    %convert_element_type3A_362 = arith.sitofp %convert_element_type3A_361 : vector<1x128xi32> to vector<1x128xf32>
    %add3A_363 = arith.addf %add3A_346, %convert_element_type3A_362 : vector<1x128xf32>
    %slice3A_364 = vector.extract_strided_slice %iota3A {offsets = [0, 0], sizes = [1, 8], strides = [1, 1]} : vector<2048x8xi32> to vector<1x8xi32>
    %eq3A_365 = arith.constant 5 : i32
    %eq3A_366 = vector.broadcast %eq3A_365 : i32 to vector<1x8xi32>
    %eq3A_367 = arith.cmpi eq, %slice3A_364, %eq3A_366 : vector<1x8xi32>
    %jit3A_368 = arith.constant 0.000000e+00 : f32
    %broadcast_in_dim3A_369 = vector.broadcast %jit3A_368 : f32 to vector<1x8xf32>
    %select_n3A_370 = arith.select %eq3A_367, %dot_general3A_170, %broadcast_in_dim3A_369 : vector<1x8xi1>, vector<1x8xf32>
    %reduce_sum3A_371 = vector.shape_cast %select_n3A_370 : vector<1x8xf32> to vector<1x1x8xf32>
    %reduce_sum3A_372 = arith.constant dense<0.000000e+00> : vector<1xf32>
    %reduce_sum3A_373 = vector.multi_reduction <add>, %reduce_sum3A_371, %reduce_sum3A_372 [1, 2] : vector<1x1x8xf32> to vector<1xf32>
    %reduce_sum3A_374 = vector.shape_cast %reduce_sum3A_373 : vector<1xf32> to vector<1x1x1xf32>
    %reduce_sum3A_375 = vector.extract %reduce_sum3A_374[0, 0, 0] : f32 from vector<1x1x1xf32>
    %ge3A_376 = vector.broadcast %reduce_sum3A_375 : f32 to vector<1x128xf32>
    %ge3A_377 = arith.cmpf oge, %convert_element_type3A_277, %ge3A_376 : vector<1x128xf32>
    %convert_element_type3A_378 = arith.extui %ge3A_377 : vector<1x128xi1> to vector<1x128xi32>
    %convert_element_type3A_379 = arith.sitofp %convert_element_type3A_378 : vector<1x128xi32> to vector<1x128xf32>
    %add3A_380 = arith.addf %add3A_363, %convert_element_type3A_379 : vector<1x128xf32>
    %slice3A_381 = vector.extract_strided_slice %iota3A {offsets = [0, 0], sizes = [1, 8], strides = [1, 1]} : vector<2048x8xi32> to vector<1x8xi32>
    %eq3A_382 = arith.constant 6 : i32
    %eq3A_383 = vector.broadcast %eq3A_382 : i32 to vector<1x8xi32>
    %eq3A_384 = arith.cmpi eq, %slice3A_381, %eq3A_383 : vector<1x8xi32>
    %jit3A_385 = arith.constant 0.000000e+00 : f32
    %broadcast_in_dim3A_386 = vector.broadcast %jit3A_385 : f32 to vector<1x8xf32>
    %select_n3A_387 = arith.select %eq3A_384, %dot_general3A_170, %broadcast_in_dim3A_386 : vector<1x8xi1>, vector<1x8xf32>
    %reduce_sum3A_388 = vector.shape_cast %select_n3A_387 : vector<1x8xf32> to vector<1x1x8xf32>
    %reduce_sum3A_389 = arith.constant dense<0.000000e+00> : vector<1xf32>
    %reduce_sum3A_390 = vector.multi_reduction <add>, %reduce_sum3A_388, %reduce_sum3A_389 [1, 2] : vector<1x1x8xf32> to vector<1xf32>
    %reduce_sum3A_391 = vector.shape_cast %reduce_sum3A_390 : vector<1xf32> to vector<1x1x1xf32>
    %reduce_sum3A_392 = vector.extract %reduce_sum3A_391[0, 0, 0] : f32 from vector<1x1x1xf32>
    %ge3A_393 = vector.broadcast %reduce_sum3A_392 : f32 to vector<1x128xf32>
    %ge3A_394 = arith.cmpf oge, %convert_element_type3A_277, %ge3A_393 : vector<1x128xf32>
    %convert_element_type3A_395 = arith.extui %ge3A_394 : vector<1x128xi1> to vector<1x128xi32>
    %convert_element_type3A_396 = arith.sitofp %convert_element_type3A_395 : vector<1x128xi32> to vector<1x128xf32>
    %add3A_397 = arith.addf %add3A_380, %convert_element_type3A_396 : vector<1x128xf32>
    %slice3A_398 = vector.extract_strided_slice %iota3A {offsets = [0, 0], sizes = [1, 8], strides = [1, 1]} : vector<2048x8xi32> to vector<1x8xi32>
    %eq3A_399 = arith.constant 7 : i32
    %eq3A_400 = vector.broadcast %eq3A_399 : i32 to vector<1x8xi32>
    %eq3A_401 = arith.cmpi eq, %slice3A_398, %eq3A_400 : vector<1x8xi32>
    %jit3A_402 = arith.constant 0.000000e+00 : f32
    %broadcast_in_dim3A_403 = vector.broadcast %jit3A_402 : f32 to vector<1x8xf32>
    %select_n3A_404 = arith.select %eq3A_401, %dot_general3A_170, %broadcast_in_dim3A_403 : vector<1x8xi1>, vector<1x8xf32>
    %reduce_sum3A_405 = vector.shape_cast %select_n3A_404 : vector<1x8xf32> to vector<1x1x8xf32>
    %reduce_sum3A_406 = arith.constant dense<0.000000e+00> : vector<1xf32>
    %reduce_sum3A_407 = vector.multi_reduction <add>, %reduce_sum3A_405, %reduce_sum3A_406 [1, 2] : vector<1x1x8xf32> to vector<1xf32>
    %reduce_sum3A_408 = vector.shape_cast %reduce_sum3A_407 : vector<1xf32> to vector<1x1x1xf32>
    %reduce_sum3A_409 = vector.extract %reduce_sum3A_408[0, 0, 0] : f32 from vector<1x1x1xf32>
    %ge3A_410 = vector.broadcast %reduce_sum3A_409 : f32 to vector<1x128xf32>
    %ge3A_411 = arith.cmpf oge, %convert_element_type3A_277, %ge3A_410 : vector<1x128xf32>
    %convert_element_type3A_412 = arith.extui %ge3A_411 : vector<1x128xi1> to vector<1x128xi32>
    %convert_element_type3A_413 = arith.sitofp %convert_element_type3A_412 : vector<1x128xi32> to vector<1x128xf32>
    %add3A_414 = arith.addf %add3A_397, %convert_element_type3A_413 : vector<1x128xf32>
    %min3A = arith.constant 7.000000e+00 : f32
    %min3A_415 = vector.broadcast %min3A : f32 to vector<1x128xf32>
    %min3A_416 = arith.minimumf %add3A_414, %min3A_415 : vector<1x128xf32>
    %convert_element_type3A_417 = arith.fptosi %min3A_416 : vector<1x128xf32> to vector<1x128xi32>
    %swap3A_418 = arith.constant 0 : index
    %swap3A_419 = arith.constant 0 : index
    %swap3A_420 = vector.load %arg6[%swap3A_418, %swap3A_419] : memref<1x128xi32, #tpu.memory_space<vmem>>, vector<1x128xi32>
    tpu.vector_store %arg6[%swap3A_418, %swap3A_419], %convert_element_type3A_417 {strides = array<i32>} : memref<1x128xi32, #tpu.memory_space<vmem>>, vector<1x128xi32>,
    return
  }
}

module attributes {stable_mosaic.version = 14 : i64} {
  func.func @_comb_body(%arg0: i32, %arg1: memref<256x1024xf32, #tpu.memory_space<vmem>>, %arg2: memref<1024x1024xf32, #tpu.memory_space<vmem>>, %arg3: memref<1024x1024xf32, #tpu.memory_space<vmem>>, %arg4: memref<1024x1024xf32, #tpu.memory_space<vmem>>, %arg5: memref<256x1024xf32, #tpu.memory_space<vmem>>, %arg6: memref<256x1024xf32, #tpu.memory_space<vmem>>, %arg7: memref<256x1xf32, #tpu.memory_space<vmem>>, %arg8: memref<256x1xf32, #tpu.memory_space<vmem>>, %arg9: memref<256x1024xf32, #tpu.memory_space<vmem>>) attributes {dimension_semantics = [#tpu.dimension_semantics<arbitrary>], iteration_bounds = array<i64: 8>, scalar_prefetch = 0 : i64, scratch_operands = 0 : i64, tpu.core_type = #tpu.core_type<tc>, window_params = [{transform_indices = @transform_0, window_bounds = array<i64: 256, 1024>}, {pipeline_mode = #tpu.pipeline_mode<synchronous>, transform_indices = @transform_1, window_bounds = array<i64: 1024, 1024>}, {pipeline_mode = #tpu.pipeline_mode<synchronous>, transform_indices = @transform_2, window_bounds = array<i64: 1024, 1024>}, {pipeline_mode = #tpu.pipeline_mode<synchronous>, transform_indices = @transform_3, window_bounds = array<i64: 1024, 1024>}, {transform_indices = @transform_4, window_bounds = array<i64: 256, 1024>}, {transform_indices = @transform_5, window_bounds = array<i64: 256, 1024>}, {transform_indices = @transform_6, window_bounds = array<i64: 256, 1>}, {transform_indices = @transform_7, window_bounds = array<i64: 256, 1>}, {transform_indices = @transform_8, window_bounds = array<i64: 256, 1024>}]} {
    %get3A = arith.constant 0 : index
    %get3A_0 = arith.constant 0 : index
    %get3A_1 = vector.load %arg1[%get3A, %get3A_0] : memref<256x1024xf32, #tpu.memory_space<vmem>>, vector<256x1024xf32>
    %convert_element_type3A = arith.truncf %get3A_1 : vector<256x1024xf32> to vector<256x1024xbf16>
    %get3A_2 = arith.constant 0 : index
    %get3A_3 = arith.constant 0 : index
    %get3A_4 = vector.load %arg2[%get3A_2, %get3A_3] : memref<1024x1024xf32, #tpu.memory_space<vmem>>, vector<1024x1024xf32>
    %convert_element_type3A_5 = arith.truncf %get3A_4 : vector<1024x1024xf32> to vector<1024x1024xbf16>
    %dot_general3A = arith.constant dense<0.000000e+00> : vector<256x1024xf32>
    %dot_general3A_6 = tpu.matmul %convert_element_type3A, %convert_element_type3A_5, %dot_general3A {dimension_numbers = #tpu.dot_dimension_numbers<[1], [0], [0], [1], [0, 0, 1, 1], [], []>, transpose_lhs_hint = false} : vector<256x1024xbf16>, vector<1024x1024xbf16>, vector<256x1024xf32> -> vector<256x1024xf32>
    %get3A_7 = arith.constant 0 : index
    %get3A_8 = arith.constant 0 : index
    %get3A_9 = vector.load %arg3[%get3A_7, %get3A_8] : memref<1024x1024xf32, #tpu.memory_space<vmem>>, vector<1024x1024xf32>
    %convert_element_type3A_10 = arith.truncf %get3A_9 : vector<1024x1024xf32> to vector<1024x1024xbf16>
    %dot_general3A_11 = arith.constant dense<0.000000e+00> : vector<256x1024xf32>
    %dot_general3A_12 = tpu.matmul %convert_element_type3A, %convert_element_type3A_10, %dot_general3A_11 {dimension_numbers = #tpu.dot_dimension_numbers<[1], [0], [0], [1], [0, 0, 1, 1], [], []>, transpose_lhs_hint = false} : vector<256x1024xbf16>, vector<1024x1024xbf16>, vector<256x1024xf32> -> vector<256x1024xf32>
    %logistic3A = arith.negf %dot_general3A_6 : vector<256x1024xf32>
    %logistic3A_13 = math.exp %logistic3A : vector<256x1024xf32>
    %logistic3A_14 = arith.constant 1.000000e+00 : f32
    %logistic3A_15 = vector.broadcast %logistic3A_14 : f32 to vector<256x1024xf32>
    %logistic3A_16 = arith.addf %logistic3A_15, %logistic3A_13 : vector<256x1024xf32>
    %logistic3A_17 = arith.divf %logistic3A_15, %logistic3A_16 : vector<256x1024xf32>
    %mul3A = arith.mulf %dot_general3A_6, %logistic3A_17 : vector<256x1024xf32>
    %mul3A_18 = arith.mulf %mul3A, %dot_general3A_12 : vector<256x1024xf32>
    %convert_element_type3A_19 = arith.truncf %mul3A_18 : vector<256x1024xf32> to vector<256x1024xbf16>
    %get3A_20 = arith.constant 0 : index
    %get3A_21 = arith.constant 0 : index
    %get3A_22 = vector.load %arg4[%get3A_20, %get3A_21] : memref<1024x1024xf32, #tpu.memory_space<vmem>>, vector<1024x1024xf32>
    %convert_element_type3A_23 = arith.truncf %get3A_22 : vector<1024x1024xf32> to vector<1024x1024xbf16>
    %dot_general3A_24 = arith.constant dense<0.000000e+00> : vector<256x1024xf32>
    %dot_general3A_25 = tpu.matmul %convert_element_type3A_19, %convert_element_type3A_23, %dot_general3A_24 {dimension_numbers = #tpu.dot_dimension_numbers<[1], [0], [0], [1], [0, 0, 1, 1], [], []>, transpose_lhs_hint = false} : vector<256x1024xbf16>, vector<1024x1024xbf16>, vector<256x1024xf32> -> vector<256x1024xf32>
    %get3A_26 = arith.constant 0 : index
    %get3A_27 = arith.constant 0 : index
    %get3A_28 = vector.load %arg7[%get3A_26, %get3A_27] : memref<256x1xf32, #tpu.memory_space<vmem>>, vector<256x1xf32>
    %get3A_29 = arith.constant 0 : index
    %get3A_30 = arith.constant 0 : index
    %get3A_31 = vector.load %arg5[%get3A_29, %get3A_30] : memref<256x1024xf32, #tpu.memory_space<vmem>>, vector<256x1024xf32>
    %mul3A_32 = vector.broadcast %get3A_28 : vector<256x1xf32> to vector<256x1024xf32>
    %mul3A_33 = arith.mulf %mul3A_32, %get3A_31 : vector<256x1024xf32>
    %add3A = arith.addf %dot_general3A_25, %mul3A_33 : vector<256x1024xf32>
    %get3A_34 = arith.constant 0 : index
    %get3A_35 = arith.constant 0 : index
    %get3A_36 = vector.load %arg8[%get3A_34, %get3A_35] : memref<256x1xf32, #tpu.memory_space<vmem>>, vector<256x1xf32>
    %get3A_37 = arith.constant 0 : index
    %get3A_38 = arith.constant 0 : index
    %get3A_39 = vector.load %arg6[%get3A_37, %get3A_38] : memref<256x1024xf32, #tpu.memory_space<vmem>>, vector<256x1024xf32>
    %mul3A_40 = vector.broadcast %get3A_36 : vector<256x1xf32> to vector<256x1024xf32>
    %mul3A_41 = arith.mulf %mul3A_40, %get3A_39 : vector<256x1024xf32>
    %add3A_42 = arith.addf %add3A, %mul3A_41 : vector<256x1024xf32>
    %swap3A = arith.constant 0 : index
    %swap3A_43 = arith.constant 0 : index
    %swap3A_44 = vector.load %arg9[%swap3A, %swap3A_43] : memref<256x1024xf32, #tpu.memory_space<vmem>>, vector<256x1024xf32>
    tpu.vector_store %arg9[%swap3A, %swap3A_43], %add3A_42 {strides = array<i32>} : memref<256x1024xf32, #tpu.memory_space<vmem>>, vector<256x1024xf32>,
    return
  }
  func.func @transform_0(%arg0: i32) -> (i32, i32) {
    %c0_i32 = arith.constant 0 : i32
    %c0_i32_0 = arith.constant 0 : i32
    return %arg0, %c0_i32 : i32, i32
  }
  func.func @transform_1(%arg0: i32) -> (i32, i32) {
    %c0_i32 = arith.constant 0 : i32
    %c0_i32_0 = arith.constant 0 : i32
    %c0_i32_1 = arith.constant 0 : i32
    return %c0_i32, %c0_i32_0 : i32, i32
  }
  func.func @transform_2(%arg0: i32) -> (i32, i32) {
    %c0_i32 = arith.constant 0 : i32
    %c0_i32_0 = arith.constant 0 : i32
    %c0_i32_1 = arith.constant 0 : i32
    return %c0_i32, %c0_i32_0 : i32, i32
  }
  func.func @transform_3(%arg0: i32) -> (i32, i32) {
    %c0_i32 = arith.constant 0 : i32
    %c0_i32_0 = arith.constant 0 : i32
    %c0_i32_1 = arith.constant 0 : i32
    return %c0_i32, %c0_i32_0 : i32, i32
  }
  func.func @transform_4(%arg0: i32) -> (i32, i32) {
    %c0_i32 = arith.constant 0 : i32
    %c0_i32_0 = arith.constant 0 : i32
    return %arg0, %c0_i32 : i32, i32
  }
  func.func @transform_5(%arg0: i32) -> (i32, i32) {
    %add3A = arith.constant 8 : i32
    %add3A_0 = arith.addi %arg0, %add3A : i32
    %c0_i32 = arith.constant 0 : i32
    %c0_i32_1 = arith.constant 0 : i32
    return %add3A_0, %c0_i32 : i32, i32
  }
  func.func @transform_6(%arg0: i32) -> (i32, i32) {
    %c0_i32 = arith.constant 0 : i32
    %c0_i32_0 = arith.constant 0 : i32
    return %arg0, %c0_i32 : i32, i32
  }
  func.func @transform_7(%arg0: i32) -> (i32, i32) {
    %c0_i32 = arith.constant 0 : i32
    %c0_i32_0 = arith.constant 0 : i32
    return %arg0, %c0_i32 : i32, i32
  }
  func.func @transform_8(%arg0: i32) -> (i32, i32) {
    %c0_i32 = arith.constant 0 : i32
    %c0_i32_0 = arith.constant 0 : i32
    return %arg0, %c0_i32 : i32, i32
  }
}

</mosaic_0001>

<sc_bundles>
// kernel: kernel.10.cloned.1.call-start
scs
__scs_entry_jumppad:
0x0: {  	(pc) =	sbr.rel $0x88, $3  }
0x1: {  	(tag) =	ssettag $0x0;
	lr =	simm.s32 $0x1  }
0x2: {  	[smem:$0x3F96] =	sst lr;
	_ =	strace $0xD0000000  }
0x3: {  	_ = 	snop  }
0x4: {  	_ = 	snop  }
0x5: {  	_ = 	snop  }
0x6: {  	_ = 	snop  }
0x7: {  	_ = 	snop  }
__scs_overlays_trampoline_lowered:
0x8: {  	[smem:$0x3FA5] =	sst s0  }
0x9: {  	[smem:$0x3FA6] =	sst s1  }
0xa: {  	[smem:$0x3FA7] =	sst s2  }
0xb: {  	[smem:$0x3FA8] =	sst s3  }
0xc: {  	[smem:$0x3FA9] =	sst s4  }
0xd: {  	[smem:$0x3FAA] =	sst s5  }
0xe: {  	[smem:$0x3FAB] =	sst s6  }
0xf: {  	[smem:$0x3FAC] =	sst s7  }
0x10: {  	[smem:$0x3FAD] =	sst s8  }
0x11: {  	[smem:$0x3FAE] =	sst s9;
	s0 =	simm.s32 @!p0 $0x0  }
0x12: {  	s1 =	sld [smem:$0x3F94];
	s0 =	simm.s32 @p0 $0x1  }
0x13: {  	[smem:$0x3FAF] =	sst s0;
	s0 =	simm.s32 @!p1 $0x0  }
0x14: {  	s2 =	sld [smem:$0x3F93];
	s0 =	simm.s32 @p1 $0x1  }
0x15: {  	[smem:$0x3FB0] =	sst s0;
	s0 =	simm.s32 @!p2 $0x0  }
0x16: {  	s3 =	sld [smem:$0x3FDB];
	s0 =	simm.s32 @p2 $0x1  }
0x17: {  	s4 =	simm.s32 $0x1BF5;
	[smem:$0x3FB2] =	sst s0  }
0x18: {  	s0 =	sld [smem:$0x3F95];
	_ =	swait.ge [sflag:s4], $0x0  }
0x19: {  	s7 =	sld [smem:$0x3F96]  }
0x1a: {  	s8 =	sadd.s32 $0xFFFFE003, lr  }
0x1b: {  	s9 =	sadd.s32 $0xFFFFFEF7, lr;
	s5 =	simm.s32 $0xFFFFFFFF;
	p2 =	slt.u32 s8, $0xFFFFF086  }
0x1c: {  	p1 =	slt.u32 s9, $0xF7A;
	s5 =	simm.s32 @!p2 $0x0  }
0x1d: {  	s5 =	simm.s32 @p1 $0x1;
	p0 =	seq.s32 s7, s2  }
0x1e: {  	s7 =	smul.u32 @!p0 $0xF7A, s2;
	p2 =	seq.s32 @!p0 s5, $0x0  }
0x1f: {  	s9 =	smul.u32 $0xF7A, s1;
	s8 =	simm.s32 @!p0 $0x1BF5;
	p2 =	por !p2, p0  }
0x20: {  	[sflag:s8] =	ssyncset.s32 @!p0 $0xFFFFF086;
	s6 =	sadd.s32 @!p0 s3, s7;
	s7 =	simm.s32 @!p0 $0x108  }
0x21: {  	s3 =	sadd.s32 s3, s9;
	s6 =	sadd.s32 @!p0 $0x88, s6;
	s7 =	simm.s32 @p2 $0x1082  }
0x22: {  	[simem:s7], [sflag:s8] =	dma.local @!p0 [hbm:s6], $0xF7A  }
0x23: {  	s9 =	sor.u32 $0xD0000000, s2;
	s6 =	simm.s32 $0x108;
	_ =	swait.ge @!p0 [sflag:s8], $0x0  }
0x24: {  	s3 =	sadd.s32 $0x88, s3;
	s6 =	simm.s32 @!p1 $0x1082;
	[sflag:s4] =	ssyncset.s32 $0xFFFFF086  }
0x25: {  	[simem:s6], [sflag:s4] =	dma.local [hbm:s3], $0xF7A  }
0x26: {  	[smem:$0x3F96] =	sst s1;
	(tag) =	ssettag s2;
	_ =	strace s9  }
0x27: {  	s1 =	sld [smem:$0x3FA6]  }
0x28: {  	s2 =	sld [smem:$0x3FA7]  }
0x29: {  	s4 =	sld [smem:$0x3FA9]  }
0x2a: {  	p0 =	seq.s32 s5, $0x0;
	s5 =	sld [smem:$0x3FAA]  }
0x2b: {  	s6 =	sld [smem:$0x3FAB]  }
0x2c: {  	s7 =	sld [smem:$0x3FAC]  }
0x2d: {  	s3 =	simm.s32 $0x108;
	s8 =	sld [smem:$0x3FAD]  }
0x2e: {  	s3 =	simm.s32 @!p0 $0x1082;
	s9 =	sld [smem:$0x3FAE]  }
0x2f: {  	lr =	sadd.s32 s0, s3;
	s0 =	sld [smem:$0x3FA5]  }
0x30: {  	s3 =	sld [smem:$0x3FA8]  }
0x31: {  	[smem:$0x3FB1] =	sst s10  }
0x32: {  	s10 =	sld [smem:$0x3FAF];
	_ =	sdelay $0x3  }
0x33: {  	p0 =	seq.s32 s10, $0x1;
	s10 =	sld [smem:$0x3FB1];
	_ =	sdelay $0x3  }
0x34: {  	[smem:$0x3FB1] =	sst s10  }
0x35: {  	s10 =	sld [smem:$0x3FB0];
	_ =	sdelay $0x3  }
0x36: {  	p1 =	seq.s32 s10, $0x1;
	s10 =	sld [smem:$0x3FB1];
	_ =	sdelay $0x3  }
0x37: {  	[smem:$0x3FB1] =	sst s10  }
0x38: {  	s10 =	sld [smem:$0x3FB2]  }
0x39: {  	_ = 	snop;
	(pc) =	sbr.ind lr, $3  }
0x3a: {  	_ = 	snop  }
0x3b: {  	_ = 	snop  }
0x3c: {  	p2 =	seq.s32 s10, $0x1;
	s10 =	sld [smem:$0x3FB1]  }
0x3d: {  	_ =	shalt  }
0x3e: {  	_ =	shalt  }
0x3f: {  	_ =	shalt  }
0x40: {  	_ =	shalt  }
0x41: {  	_ =	shalt  }
0x42: {  	_ =	shalt  }
0x43: {  	_ =	shalt  }
0x44: {  	_ =	shalt  }
0x45: {  	_ =	shalt  }
0x46: {  	_ =	shalt  }
0x47: {  	_ =	shalt  }
0x48: {  	_ =	shalt  }
0x49: {  	_ =	shalt  }
0x4a: {  	_ =	shalt  }
0x4b: {  	_ =	shalt  }
0x4c: {  	_ =	shalt  }
0x4d: {  	_ =	shalt  }
0x4e: {  	_ =	shalt  }
0x4f: {  	_ =	shalt  }
0x50: {  	_ =	shalt  }
0x51: {  	_ =	shalt  }
0x52: {  	_ =	shalt  }
0x53: {  	_ =	shalt  }
0x54: {  	_ =	shalt  }
0x55: {  	_ =	shalt  }
0x56: {  	_ =	shalt  }
0x57: {  	_ =	shalt  }
0x58: {  	_ =	shalt  }
0x59: {  	_ =	shalt  }
0x5a: {  	_ =	shalt  }
0x5b: {  	_ =	shalt  }
0x5c: {  	_ =	shalt  }
0x5d: {  	_ =	shalt  }
0x5e: {  	_ =	shalt  }
0x5f: {  	_ =	shalt  }
0x60: {  	_ =	shalt  }
0x61: {  	_ =	shalt  }
0x62: {  	_ =	shalt  }
0x63: {  	_ =	shalt  }
0x64: {  	_ =	shalt  }
0x65: {  	_ =	shalt  }
0x66: {  	_ =	shalt  }
0x67: {  	_ =	shalt  }
0x68: {  	_ =	shalt  }
0x69: {  	_ =	shalt  }
0x6a: {  	_ =	shalt  }
0x6b: {  	_ =	shalt  }
0x6c: {  	_ =	shalt  }
0x6d: {  	_ =	shalt  }
0x6e: {  	_ =	shalt  }
0x6f: {  	_ =	shalt  }
0x70: {  	_ =	shalt  }
0x71: {  	_ =	shalt  }
0x72: {  	_ =	shalt  }
0x73: {  	_ =	shalt  }
0x74: {  	_ =	shalt  }
0x75: {  	_ =	shalt  }
0x76: {  	_ =	shalt  }
0x77: {  	_ =	shalt  }
0x78: {  	_ =	shalt  }
0x79: {  	_ =	shalt  }
0x7a: {  	_ =	shalt  }
0x7b: {  	_ =	shalt  }
0x7c: {  	_ =	shalt  }
0x7d: {  	_ =	shalt  }
0x7e: {  	_ =	shalt  }
0x7f: {  	_ =	shalt  }
0x80: {  	_ =	shalt  }
0x81: {  	_ =	shalt  }
0x82: {  	_ =	shalt  }
0x83: {  	_ =	shalt  }
0x84: {  	_ =	shalt  }
0x85: {  	_ =	shalt  }
0x86: {  	_ =	shalt  }
0x87: {  	_ =	shalt  }
.Lfunc_end0:
.L_simem_size_0:
called_computation.1_lowered:
.L_overlay_start_0:
0x88: {  	s2 =	sld [smem:$0x3FD9]  }
0x89: {  	s3 =	sld [smem:$0x3FFE];
	_ =	sdelay $0x1  }
0x8a: {  	s1 =	srdreg.scid  }
0x8b: {  	s0 =	sand.u32 $0x1, s1  }
0x8c: {  	s17 =	sshll.u32 s0, $0xA;
	s2 =	sadd.s32 s3, s2  }
0x8d: {  	s2 =	sadd.s32 s2, s17  }
0x8e: {  	[smem:$0x3FBD] =	sst s2  }
0x8f: {  	_ = 	snop  }
0x90: {  	s2 =	sld [smem:$0x3FD0];
	(tm) =	ssettm $0x1  }
0x91: {  	s18 =	sld [smem:$0x3FFB];
	_ =	sdelay $0x3  }
0x92: {  	_ =	strace s18  }
0x93: {  	s3 =	sld [smem:$0x3FFC];
	_ =	sdelay $0x3  }
0x94: {  	_ =	strace s3  }
0x95: {  	s3 =	sld [smem:$0x3FFD];
	_ =	sdelay $0x3  }
0x96: {  	_ =	strace s3  }
0x97: {  	_ =	strace $0x8FFFFFFF  }
0x98: {  	s19 =	sld [smem:$0x3FDB];
	_ =	sdelay $0x1  }
0x99: {  	s4 =	simm.s32 $_scs_section_size  }
0x9a: {  	s5 =	simm.s32 $_size__tile_overlayer_lowered;
	s6 =	simm.s32 $_tile_overlayer_lowered  }
0x9b: {  	s22 =	simm.s32 $0x1BFF;
	s21 =	sshll.u32 s6, $0x1;
	s3 =	sadd.s32 s4, s19  }
0x9c: {  	s7 =	simm.s32 $0x0;
	s20 =	sshll.u32 s5, $0x1;
	s5 =	sadd.s32 s21, s3  }
0x9d: {  	[timem:s7], [sflag:s22] =	dma.local [hbm:s5], s20  }
0x9e: {  	_ =	swait.ge [sflag:s22], s20  }
0x9f: {  	s4 =	ssub.s32 $0x0, s20;
	[sflag:s22] =	ssyncset.done $0x0  }
0xa0: {  	[sflag:s22] =	ssyncadd.s32 s4;
	_ =	sdelay $0x1  }
0xa1: {  	s23 =	simm.s32 $0x1B8B  }
0xa2: {  	_ =	swait.ge [sflag:s23], $0x1  }
0xa3: {  	[sflag:s23] =	ssyncset.done $0x0  }
0xa4: {  	s25 =	simm.s32 $0x1B8E;
	s24 =	sld [smem:$0x3FFE];
	[sflag:s23] =	ssyncadd.s32 $0xFFFFFFFF  }
0xa5: {  	s26 =	simm.s32 $execute0_lowered;
	[smem:$0x3FD2] =	sst s25  }
0xa6: {  	s5 =	sshll.u32 s26, $0x1;
	_ =	strace $0x80000049;
	[dreg:$0x1] =	wrdreg $0xFFFFFFFF  }
0xa7: {  	s28 =	simm.s32 $_size_execute0_lowered;
	s3 =	sadd.s32 s3, s5;
	[dreg:$0x0] =	wrdreg $0x0  }
0xa8: {  	s5 =	sshll.u32 s28, $0x1;
	[dreg:$0x2] =	wrdreg s3  }
0xa9: {  	[dreg:$0x3] =	wrdreg s5  }
0xaa: {  	[dreg:$0x4] =	wrdreg $0xC0  }
0xab: {  	_ =	task [dreg:s7], $0x5FFFF  }
0xac: {  	[dreg:$0x1] =	wrdreg $0xFFFFFFFF  }
0xad: {  	[dreg:$0x0] =	wrdreg $0x60  }
0xae: {  	[dreg:$0x2] =	wrdreg s24  }
0xaf: {  	[dreg:$0x3] =	wrdreg s2  }
0xb0: {  	[dreg:$0x4] =	wrdreg $0x9  }
0xb1: {  	_ =	task.clear_ibuf [dreg:s7], $0x5FFFF;
	_ =	strace $0x90000049  }
0xb2: {  	s29 =	simm.s32 $0x9;
	_ =	strace $0x8000004B  }
0xb3: {  	_ =	swait.ge [sflag:s29], $0x1  }
0xb4: {  	[sflag:s29] =	ssyncadd.s32 $0xFFFFFFFF  }
0xb5: {  	_ =	strace $0x9000004B  }
0xb6: {  	_ =	sfence  }
0xb7: {  	s30 =	sld [smem:$0x0];
	_ =	sdelay $0x2  }
0xb8: {  	s31 =	sshll.u32 s1, $0xD;
	s1 =	sshrl.u32 s1, $0x2  }
0xb9: {  	s3 =	sand.u32 $0x4000, s31;
	s1 =	sadd.s32 s1, s30  }
0xba: {  	s0 =	sor.u32 s3, s0;
	s1 =	sshll.u32 s1, $0x11  }
0xbb: {  	s0 =	sor.u32 s1, s0  }
0xbc: {  	s0 =	sadd.s32 $0x8F2B, s0  }
0xbd: {  	[sflag:s0] =	ssyncadd.remote.s32 $0x1  }
0xbe: {  	_ =	sfence.sel $0xFFFF  }
0xbf: {  	[dreg:$0x0] =	wrdreg $0xFFFFFFFF;
	(pc) =	sbr.abs _section_cstart, $3  }
0xc0: {  	[dreg:$0x1] =	wrdreg $0xFFFFFFFF  }
0xc1: {  	_ =	task.clear_ibuf [dreg:s7], $0x2FFFF;
	_ =	strace $0x9FFFFFFF  }
0xc2: {  	(tm) =	ssettm $0x7FFFFFFF  }
0xc3: {  	_ =	shalt  }
tec
execute0_lowered:
.L_overlay_start_1:
0x0: {  	(tag) =	ssettag $0x1  }
0x1: {  	s0 =	rddreg [dreg:$0x0]  }
0x2: {  	s1 =	rddreg [dreg:$0x1]  }
0x3: {  	s3 =	srdreg.scid;
	s2 =	simm.s32 $0x0;
	s5 =	stileid.u32  }
0x4: {  	s24 =	simm.s32 $0x80;
	s25 =	simm.s32 $0x100;
	s26 =	simm.s32 $0x180  }
0x5: {  	s28 =	simm.s32 $0x200;
	s29 =	simm.s32 $0x2200;
	s30 =	simm.s32 $0x2A00  }
0x6: {  	s31 =	simm.s32 $0x3200;
	s11 =	simm.s32 $0x4A00;
	s12 =	simm.s32 $0x5A00  }
0x7: {  	s13 =	simm.s32 $0x6200;
	s4 =	sand.u32 $0x1, s3;
	[smem:$0x7FF] =	sst s2  }
0x8: {  	s14 =	sshll.u32 s5, $0x7;
	s3 =	sadd.s32 $0xA2E00, s0;
	s8 =	sadd.s32 $0x2C00, s0  }
0x9: {  	s18 =	sadd.s32 $0x2E00, s0;
	_ =	strace $0x8000004A;
	[dreg:$0xa] =	wrdreg s24  }
0xa: {  	s15 =	sshll.u32 s4, $0x6;
	s4 =	ssub.s32 $0x2, s4;
	[dreg:$0xb] =	wrdreg s25  }
0xb: {  	[dreg:$0xc] =	wrdreg s26;
	s26 =	simm.s32 $0x1;
	s24 =	simm.s32 $0x1200  }
0xc: {  	s25 =	simm.s32 $0x1A00;
	s5 =	sor.u32 s15, s14;
	s16 =	sshrl.u32 s4, $0x1  }
0xd: {  	s14 =	simm.s32 $0x6A00;
	s15 =	simm.s32 $0x7200;
	s6 =	sshrl.u32 s5, $0x3  }
0xe: {  	s7 =	sor.u32 $0x20, s5;
	s4 =	ssub.s32 s4, s16;
	s5 =	sshll.u32 s5, $0x7  }
0xf: {  	s16 =	simm.s32 $0x7A00;
	s9 =	sadd.s32 s1, s6;
	s10 =	sshrl.u32 s7, $0x3  }
0x10: {  	s17 =	sadd.s32 s8, s6;
	s7 =	sshll.u32 s7, $0x7;
	s20 =	sadd.s32 s18, s5  }
0x11: {  	s5 =	sadd.s32 $0xA2F00, s0;
	s6 =	sadd.s32 $0xA3000, s0;
	[dreg:$0x3] =	wrdreg s9  }
0x12: {  	s1 =	sadd.s32 s1, s10;
	[dreg:$0x5] =	wrdreg s17;
	s19 =	sadd.s32 s8, s10  }
0x13: {  	s21 =	sadd.s32 s18, s7;
	s22 =	sadd.s32 $0x40000, s20;
	[dreg:$0xd] =	wrdreg s20  }
0x14: {  	s23 =	sadd.s32 $0x41000, s20;
	s7 =	sadd.s32 $0xA3100, s0;
	[dreg:$0x4] =	wrdreg s1  }
0x15: {  	s8 =	smax.u32 s4, $0x1;
	s9 =	simm.s32 $0x4;
	[dreg:$0x6] =	wrdreg s19  }
0x16: {  	v2 =	vlaneseq.u32;
	s10 =	simm.s32 $0x3A00;
	s20 =	simm.s32 $0x8200;
	[dreg:$0x7] =	wrdreg s21  }
0x17: {  	vm0 =	vmmov $0xffff;
	v1 =	vshrl.u32 v2, $0x3;
	s17 =	simm.s32 $0x8A00;
	s18 =	simm.s32 $0x9200;
	[dreg:$0x8] =	wrdreg s22  }
0x18: {  	v0 =	vand.u32 $0x7, v2;
	v2 =	vor.u32 $0x8, v2;
	v1 =	vmul.u32 $0x8, v1;
	[dreg:$0x9] =	wrdreg s23;
	s19 =	simm.s32 $0x9A00;
	s21 =	simm.s32 $0xAA00  }
.LBB2_1:
0x19: {  	s22 =	rddreg [dreg:$0x3]  }
0x1a: {  	[tilespmem:s2], [sflag:$0x4] =	stream.linear.gather [hbm4b:s22+s2], $0x20, $0x38;
	[tilespmem:$0x10200] =	vst v63  }
0x1b: {  	_ =	swait.ge [sflag:s9], $0x20  }
0x1c: {  	s4 =	rddreg [dreg:$0x4];
	[sflag:s9] =	ssyncset.done $0x0  }
0x1d: {  	s23 =	rddreg [dreg:$0xa];
	[sflag:s9] =	ssyncadd.s32 $0xFFFFFFE0  }
0x1e: {  	[tilespmem:s23], [sflag:$0x4] =	stream.linear.gather [hbm4b:s4+s2], $0x20, $0x38;
	[tilespmem:$0x10200] =	vst v63  }
0x1f: {  	_ =	swait.ge [sflag:s9], $0x20  }
0x20: {  	s23 =	rddreg [dreg:$0x5];
	[sflag:s9] =	ssyncset.done $0x0  }
0x21: {  	s0 =	rddreg [dreg:$0xb];
	[sflag:s9] =	ssyncadd.s32 $0xFFFFFFE0  }
0x22: {  	[tilespmem:s0], [sflag:$0x4] =	stream.linear.gather [hbm4b:s23+s2], $0x20, $0x38;
	[tilespmem:$0x10200] =	vst v63  }
0x23: {  	_ =	swait.ge [sflag:s9], $0x20  }
0x24: {  	s1 =	rddreg [dreg:$0x6];
	[sflag:s9] =	ssyncset.done $0x0  }
0x25: {  	s4 =	rddreg [dreg:$0xc];
	[sflag:s9] =	ssyncadd.s32 $0xFFFFFFE0  }
0x26: {  	[tilespmem:s4], [sflag:$0x4] =	stream.linear.gather [hbm4b:s1+s2], $0x20, $0x38;
	[tilespmem:$0x10200] =	vst v63  }
0x27: {  	_ =	swait.ge [sflag:s9], $0x20  }
0x28: {  	[sflag:s9] =	ssyncset.done $0x0  }
0x29: {  	[sflag:s9] =	ssyncadd.s32 $0xFFFFFFE0  }
0x2a: {  	v3 =	vld [tilespmem:$0x0];
	_ =	sdelay $0x4  }
0x2b: {  	v4 =	vshll.u32 v3, $0x3  }
0x2c: {  	v3 =	vand.u32 $0x7, v3;
	v4 =	vand.u32 $0xFFFFFFC0, v4  }
0x2d: {  	v3 =	vor.u32 v3, v4  }
0x2e: {  	v4 =	vperm.xlane v3, v0;
	_ =	sdelay $0x1  }
0x2f: {  	v4 =	vadd.s32 v1, v4;
	_ =	sdelay $0x4  }
0x30: {  	[tilespmem:s28], [sflag:$0x1] =	stream.indirect_vreg.gather [hbm4b:s3+s2], $0x80, v4, vm0, $0xb8;
	[tilespmem:$0x10200] =	vst v63  }
0x31: {  	s23 =	simm.s32 $0xA00;
	v3 =	vperm.xlane v3, v2  }
0x32: {  	[tilespmem:s23], [sflag:$0x1] =	stream.indirect_vreg.gather [hbm4b:s5+s2], $0x80, v4, vm0, $0xb8;
	[tilespmem:$0x10200] =	vst v63  }
0x33: {  	v3 =	vadd.s32 v1, v3  }
0x34: {  	[tilespmem:s24], [sflag:$0x1] =	stream.indirect_vreg.gather [hbm4b:s6+s2], $0x80, v4, vm0, $0xb8;
	[tilespmem:$0x10200] =	vst v63  }
0x35: {  	_ = 	snop  }
0x36: {  	[tilespmem:s25], [sflag:$0x1] =	stream.indirect_vreg.gather [hbm4b:s7+s2], $0x80, v4, vm0, $0xb8;
	[tilespmem:$0x10200] =	vst v63  }
0x37: {  	_ = 	snop  }
0x38: {  	[tilespmem:s29], [sflag:$0x1] =	stream.indirect_vreg.gather [hbm4b:s3+s2], $0x80, v3, vm0, $0xb8;
	[tilespmem:$0x10200] =	vst v63  }
0x39: {  	_ = 	snop  }
0x3a: {  	[tilespmem:s30], [sflag:$0x1] =	stream.indirect_vreg.gather [hbm4b:s5+s2], $0x80, v3, vm0, $0xb8;
	[tilespmem:$0x10200] =	vst v63  }
0x3b: {  	_ = 	snop  }
0x3c: {  	[tilespmem:s31], [sflag:$0x1] =	stream.indirect_vreg.gather [hbm4b:s6+s2], $0x80, v3, vm0, $0xb8;
	[tilespmem:$0x10200] =	vst v63  }
0x3d: {  	_ = 	snop  }
0x3e: {  	[tilespmem:s10], [sflag:$0x1] =	stream.indirect_vreg.gather [hbm4b:s7+s2], $0x80, v3, vm0, $0xb8;
	[tilespmem:$0x10200] =	vst v63  }
0x3f: {  	v3 =	vld [tilespmem:$0x10];
	_ =	sdelay $0x4  }
0x40: {  	v57 =	vshll.u32 v3, $0x3  }
0x41: {  	v3 =	vand.u32 $0x7, v3;
	v4 =	vand.u32 $0xFFFFFFC0, v57  }
0x42: {  	v3 =	vor.u32 v3, v4  }
0x43: {  	v4 =	vperm.xlane v3, v0;
	_ =	sdelay $0x1  }
0x44: {  	v4 =	vadd.s32 v1, v4;
	_ =	sdelay $0x3  }
0x45: {  	s1 =	simm.s32 $0x4200  }
0x46: {  	[tilespmem:s1], [sflag:$0x1] =	stream.indirect_vreg.gather [hbm4b:s3+s2], $0x80, v4, vm0, $0xb8;
	[tilespmem:$0x10200] =	vst v63  }
0x47: {  	v3 =	vperm.xlane v3, v2  }
0x48: {  	[tilespmem:s11], [sflag:$0x1] =	stream.indirect_vreg.gather [hbm4b:s5+s2], $0x80, v4, vm0, $0xb8;
	[tilespmem:$0x10200] =	vst v63  }
0x49: {  	s4 =	simm.s32 $0x5200;
	v3 =	vadd.s32 v1, v3  }
0x4a: {  	[tilespmem:s4], [sflag:$0x1] =	stream.indirect_vreg.gather [hbm4b:s6+s2], $0x80, v4, vm0, $0xb8;
	[tilespmem:$0x10200] =	vst v63  }
0x4b: {  	_ = 	snop  }
0x4c: {  	[tilespmem:s12], [sflag:$0x1] =	stream.indirect_vreg.gather [hbm4b:s7+s2], $0x80, v4, vm0, $0xb8;
	[tilespmem:$0x10200] =	vst v63  }
0x4d: {  	_ = 	snop  }
0x4e: {  	[tilespmem:s13], [sflag:$0x1] =	stream.indirect_vreg.gather [hbm4b:s3+s2], $0x80, v3, vm0, $0xb8;
	[tilespmem:$0x10200] =	vst v63  }
0x4f: {  	_ = 	snop  }
0x50: {  	[tilespmem:s14], [sflag:$0x1] =	stream.indirect_vreg.gather [hbm4b:s5+s2], $0x80, v3, vm0, $0xb8;
	[tilespmem:$0x10200] =	vst v63  }
0x51: {  	_ = 	snop  }
0x52: {  	[tilespmem:s15], [sflag:$0x1] =	stream.indirect_vreg.gather [hbm4b:s6+s2], $0x80, v3, vm0, $0xb8;
	[tilespmem:$0x10200] =	vst v63  }
0x53: {  	_ = 	snop  }
0x54: {  	[tilespmem:s16], [sflag:$0x1] =	stream.indirect_vreg.gather [hbm4b:s7+s2], $0x80, v3, vm0, $0xb8;
	[tilespmem:$0x10200] =	vst v63  }
0x55: {  	_ =	swait.ge [sflag:s26], $0x8000  }
0x56: {  	[sflag:s26] =	ssyncset.done $0x0  }
0x57: {  	s0 =	rddreg [dreg:$0xd];
	[sflag:s26] =	ssyncadd.s32 $0xFFFF8000  }
0x58: {  	[hbm4b:s0+s2] =	stream.linear.scatter [tilespmem:s28], [sflag:$0x2], $0x8000, $0x38;
	[tilespmem:$0x10200] =	vst v63  }
0x59: {  	v3 =	vld [tilespmem:$0x80];
	_ =	sdelay $0x4  }
0x5a: {  	v58 =	vshll.u32 v3, $0x3  }
0x5b: {  	v3 =	vand.u32 $0x7, v3;
	v4 =	vand.u32 $0xFFFFFFC0, v58  }
0x5c: {  	v3 =	vor.u32 v3, v4  }
0x5d: {  	v4 =	vperm.xlane v3, v0;
	_ =	sdelay $0x1  }
0x5e: {  	v4 =	vadd.s32 v1, v4;
	_ =	sdelay $0x4  }
0x5f: {  	[tilespmem:s20], [sflag:$0x1] =	stream.indirect_vreg.gather [hbm4b:s3+s2], $0x80, v4, vm0, $0xb8;
	[tilespmem:$0x10200] =	vst v63  }
0x60: {  	v3 =	vperm.xlane v3, v2  }
0x61: {  	[tilespmem:s17], [sflag:$0x1] =	stream.indirect_vreg.gather [hbm4b:s5+s2], $0x80, v4, vm0, $0xb8;
	[tilespmem:$0x10200] =	vst v63  }
0x62: {  	v3 =	vadd.s32 v1, v3  }
0x63: {  	[tilespmem:s18], [sflag:$0x1] =	stream.indirect_vreg.gather [hbm4b:s6+s2], $0x80, v4, vm0, $0xb8;
	[tilespmem:$0x10200] =	vst v63  }
0x64: {  	_ = 	snop  }
0x65: {  	[tilespmem:s19], [sflag:$0x1] =	stream.indirect_vreg.gather [hbm4b:s7+s2], $0x80, v4, vm0, $0xb8;
	[tilespmem:$0x10200] =	vst v63  }
0x66: {  	s0 =	simm.s32 $0xA200  }
0x67: {  	[tilespmem:s0], [sflag:$0x1] =	stream.indirect_vreg.gather [hbm4b:s3+s2], $0x80, v3, vm0, $0xb8;
	[tilespmem:$0x10200] =	vst v63  }
0x68: {  	_ = 	snop  }
0x69: {  	[tilespmem:s21], [sflag:$0x1] =	stream.indirect_vreg.gather [hbm4b:s5+s2], $0x80, v3, vm0, $0xb8;
	[tilespmem:$0x10200] =	vst v63  }
0x6a: {  	s22 =	simm.s32 $0xB200  }
0x6b: {  	[tilespmem:s22], [sflag:$0x1] =	stream.indirect_vreg.gather [hbm4b:s6+s2], $0x80, v3, vm0, $0xb8;
	[tilespmem:$0x10200] =	vst v63  }
0x6c: {  	s22 =	simm.s32 $0xBA00  }
0x6d: {  	[tilespmem:s22], [sflag:$0x1] =	stream.indirect_vreg.gather [hbm4b:s7+s2], $0x80, v3, vm0, $0xb8;
	[tilespmem:$0x10200] =	vst v63  }
0x6e: {  	v3 =	vld [tilespmem:$0x90];
	_ =	sdelay $0x4  }
0x6f: {  	v59 =	vshll.u32 v3, $0x3  }
0x70: {  	v3 =	vand.u32 $0x7, v3;
	v4 =	vand.u32 $0xFFFFFFC0, v59  }
0x71: {  	v3 =	vor.u32 v3, v4  }
0x72: {  	v4 =	vperm.xlane v3, v0;
	_ =	sdelay $0x1  }
0x73: {  	v4 =	vadd.s32 v1, v4;
	_ =	sdelay $0x3  }
0x74: {  	s22 =	simm.s32 $0xC200  }
0x75: {  	[tilespmem:s22], [sflag:$0x1] =	stream.indirect_vreg.gather [hbm4b:s3+s2], $0x80, v4, vm0, $0xb8;
	[tilespmem:$0x10200] =	vst v63  }
0x76: {  	v3 =	vperm.xlane v3, v2;
	s22 =	simm.s32 $0xCA00  }
0x77: {  	[tilespmem:s22], [sflag:$0x1] =	stream.indirect_vreg.gather [hbm4b:s5+s2], $0x80, v4, vm0, $0xb8;
	[tilespmem:$0x10200] =	vst v63  }
0x78: {  	v3 =	vadd.s32 v1, v3;
	s22 =	simm.s32 $0xD200  }
0x79: {  	[tilespmem:s22], [sflag:$0x1] =	stream.indirect_vreg.gather [hbm4b:s6+s2], $0x80, v4, vm0, $0xb8;
	[tilespmem:$0x10200] =	vst v63  }
0x7a: {  	s22 =	simm.s32 $0xDA00  }
0x7b: {  	[tilespmem:s22], [sflag:$0x1] =	stream.indirect_vreg.gather [hbm4b:s7+s2], $0x80, v4, vm0, $0xb8;
	[tilespmem:$0x10200] =	vst v63  }
0x7c: {  	s22 =	simm.s32 $0xE200  }
0x7d: {  	[tilespmem:s22], [sflag:$0x1] =	stream.indirect_vreg.gather [hbm4b:s3+s2], $0x80, v3, vm0, $0xb8;
	[tilespmem:$0x10200] =	vst v63  }
0x7e: {  	s22 =	simm.s32 $0xEA00  }
0x7f: {  	[tilespmem:s22], [sflag:$0x1] =	stream.indirect_vreg.gather [hbm4b:s5+s2], $0x80, v3, vm0, $0xb8;
	[tilespmem:$0x10200] =	vst v63  }
0x80: {  	s22 =	simm.s32 $0xF200  }
0x81: {  	[tilespmem:s22], [sflag:$0x1] =	stream.indirect_vreg.gather [hbm4b:s6+s2], $0x80, v3, vm0, $0xb8;
	[tilespmem:$0x10200] =	vst v63  }
0x82: {  	s22 =	simm.s32 $0xFA00  }
0x83: {  	[tilespmem:s22], [sflag:$0x1] =	stream.indirect_vreg.gather [hbm4b:s7+s2], $0x80, v3, vm0, $0xb8;
	[tilespmem:$0x10200] =	vst v63  }
0x84: {  	_ =	swait.ge [sflag:s26], $0x8000  }
0x85: {  	[sflag:s26] =	ssyncset.done $0x0  }
0x86: {  	s0 =	rddreg [dreg:$0x7];
	[sflag:s26] =	ssyncadd.s32 $0xFFFF8000  }
0x87: {  	[hbm4b:s0+s2] =	stream.linear.scatter [tilespmem:s20], [sflag:$0x3], $0x8000, $0x38;
	[tilespmem:$0x10200] =	vst v63  }
0x88: {  	s0 =	simm.s32 $0x2  }
0x89: {  	_ =	swait.ge [sflag:s0], $0x8000  }
0x8a: {  	[sflag:s0] =	ssyncset.done $0x0  }
0x8b: {  	[sflag:s0] =	ssyncadd.s32 $0xFFFF8000  }
0x8c: {  	v3 =	vld [tilespmem:$0x100];
	_ =	sdelay $0x4  }
0x8d: {  	v60 =	vshll.u32 v3, $0x3  }
0x8e: {  	v3 =	vand.u32 $0x7, v3;
	v4 =	vand.u32 $0xFFFFFFC0, v60  }
0x8f: {  	v3 =	vor.u32 v3, v4  }
0x90: {  	v4 =	vperm.xlane v3, v0;
	_ =	sdelay $0x1  }
0x91: {  	v4 =	vadd.s32 v1, v4;
	_ =	sdelay $0x4  }
0x92: {  	[tilespmem:s28], [sflag:$0x1] =	stream.indirect_vreg.gather [hbm4b:s3+s2], $0x80, v4, vm0, $0xb8;
	[tilespmem:$0x10200] =	vst v63  }
0x93: {  	v3 =	vperm.xlane v3, v2  }
0x94: {  	[tilespmem:s23], [sflag:$0x1] =	stream.indirect_vreg.gather [hbm4b:s5+s2], $0x80, v4, vm0, $0xb8;
	[tilespmem:$0x10200] =	vst v63  }
0x95: {  	v3 =	vadd.s32 v1, v3  }
0x96: {  	[tilespmem:s24], [sflag:$0x1] =	stream.indirect_vreg.gather [hbm4b:s6+s2], $0x80, v4, vm0, $0xb8;
	[tilespmem:$0x10200] =	vst v63  }
0x97: {  	_ = 	snop  }
0x98: {  	[tilespmem:s25], [sflag:$0x1] =	stream.indirect_vreg.gather [hbm4b:s7+s2], $0x80, v4, vm0, $0xb8;
	[tilespmem:$0x10200] =	vst v63  }
0x99: {  	_ = 	snop  }
0x9a: {  	[tilespmem:s29], [sflag:$0x1] =	stream.indirect_vreg.gather [hbm4b:s3+s2], $0x80, v3, vm0, $0xb8;
	[tilespmem:$0x10200] =	vst v63  }
0x9b: {  	_ = 	snop  }
0x9c: {  	[tilespmem:s30], [sflag:$0x1] =	stream.indirect_vreg.gather [hbm4b:s5+s2], $0x80, v3, vm0, $0xb8;
	[tilespmem:$0x10200] =	vst v63  }
0x9d: {  	_ = 	snop  }
0x9e: {  	[tilespmem:s31], [sflag:$0x1] =	stream.indirect_vreg.gather [hbm4b:s6+s2], $0x80, v3, vm0, $0xb8;
	[tilespmem:$0x10200] =	vst v63  }
0x9f: {  	_ = 	snop  }
0xa0: {  	[tilespmem:s10], [sflag:$0x1] =	stream.indirect_vreg.gather [hbm4b:s7+s2], $0x80, v3, vm0, $0xb8;
	[tilespmem:$0x10200] =	vst v63  }
0xa1: {  	v3 =	vld [tilespmem:$0x110];
	_ =	sdelay $0x4  }
0xa2: {  	v61 =	vshll.u32 v3, $0x3  }
0xa3: {  	v3 =	vand.u32 $0x7, v3;
	v4 =	vand.u32 $0xFFFFFFC0, v61  }
0xa4: {  	v3 =	vor.u32 v3, v4  }
0xa5: {  	v4 =	vperm.xlane v3, v0;
	_ =	sdelay $0x1  }
0xa6: {  	v4 =	vadd.s32 v1, v4;
	_ =	sdelay $0x4  }
0xa7: {  	[tilespmem:s1], [sflag:$0x1] =	stream.indirect_vreg.gather [hbm4b:s3+s2], $0x80, v4, vm0, $0xb8;
	[tilespmem:$0x10200] =	vst v63  }
0xa8: {  	v3 =	vperm.xlane v3, v2  }
0xa9: {  	[tilespmem:s11], [sflag:$0x1] =	stream.indirect_vreg.gather [hbm4b:s5+s2], $0x80, v4, vm0, $0xb8;
	[tilespmem:$0x10200] =	vst v63  }
0xaa: {  	v3 =	vadd.s32 v1, v3  }
0xab: {  	[tilespmem:s4], [sflag:$0x1] =	stream.indirect_vreg.gather [hbm4b:s6+s2], $0x80, v4, vm0, $0xb8;
	[tilespmem:$0x10200] =	vst v63  }
0xac: {  	_ = 	snop  }
0xad: {  	[tilespmem:s12], [sflag:$0x1] =	stream.indirect_vreg.gather [hbm4b:s7+s2], $0x80, v4, vm0, $0xb8;
	[tilespmem:$0x10200] =	vst v63  }
0xae: {  	_ = 	snop  }
0xaf: {  	[tilespmem:s13], [sflag:$0x1] =	stream.indirect_vreg.gather [hbm4b:s3+s2], $0x80, v3, vm0, $0xb8;
	[tilespmem:$0x10200] =	vst v63  }
0xb0: {  	_ = 	snop  }
0xb1: {  	[tilespmem:s14], [sflag:$0x1] =	stream.indirect_vreg.gather [hbm4b:s5+s2], $0x80, v3, vm0, $0xb8;
	[tilespmem:$0x10200] =	vst v63  }
0xb2: {  	_ = 	snop  }
0xb3: {  	[tilespmem:s15], [sflag:$0x1] =	stream.indirect_vreg.gather [hbm4b:s6+s2], $0x80, v3, vm0, $0xb8;
	[tilespmem:$0x10200] =	vst v63  }
0xb4: {  	_ = 	snop  }
0xb5: {  	[tilespmem:s16], [sflag:$0x1] =	stream.indirect_vreg.gather [hbm4b:s7+s2], $0x80, v3, vm0, $0xb8;
	[tilespmem:$0x10200] =	vst v63  }
0xb6: {  	_ =	swait.ge [sflag:s26], $0x8000  }
0xb7: {  	[sflag:s26] =	ssyncset.done $0x0  }
0xb8: {  	s1 =	simm.s32 $0x3;
	s4 =	rddreg [dreg:$0x8];
	[sflag:s26] =	ssyncadd.s32 $0xFFFF8000  }
0xb9: {  	[hbm4b:s4+s2] =	stream.linear.scatter [tilespmem:s28], [sflag:$0x2], $0x8000, $0x38;
	[tilespmem:$0x10200] =	vst v63  }
0xba: {  	_ =	swait.ge [sflag:s1], $0x8000  }
0xbb: {  	[sflag:s1] =	ssyncset.done $0x0  }
0xbc: {  	[sflag:s1] =	ssyncadd.s32 $0xFFFF8000  }
0xbd: {  	v3 =	vld [tilespmem:$0x180];
	_ =	sdelay $0x4  }
0xbe: {  	v62 =	vshll.u32 v3, $0x3  }
0xbf: {  	v3 =	vand.u32 $0x7, v3;
	v4 =	vand.u32 $0xFFFFFFC0, v62  }
0xc0: {  	v3 =	vor.u32 v3, v4  }
0xc1: {  	v4 =	vperm.xlane v3, v0;
	_ =	sdelay $0x1  }
0xc2: {  	v4 =	vadd.s32 v1, v4;
	_ =	sdelay $0x4  }
0xc3: {  	[tilespmem:s20], [sflag:$0x1] =	stream.indirect_vreg.gather [hbm4b:s3+s2], $0x80, v4, vm0, $0xb8;
	[tilespmem:$0x10200] =	vst v63  }
0xc4: {  	v3 =	vperm.xlane v3, v2  }
0xc5: {  	[tilespmem:s17], [sflag:$0x1] =	stream.indirect_vreg.gather [hbm4b:s5+s2], $0x80, v4, vm0, $0xb8;
	[tilespmem:$0x10200] =	vst v63  }
0xc6: {  	v3 =	vadd.s32 v1, v3  }
0xc7: {  	[tilespmem:s18], [sflag:$0x1] =	stream.indirect_vreg.gather [hbm4b:s6+s2], $0x80, v4, vm0, $0xb8;
	[tilespmem:$0x10200] =	vst v63  }
0xc8: {  	_ = 	snop  }
0xc9: {  	[tilespmem:s19], [sflag:$0x1] =	stream.indirect_vreg.gather [hbm4b:s7+s2], $0x80, v4, vm0, $0xb8;
	[tilespmem:$0x10200] =	vst v63  }
0xca: {  	s22 =	simm.s32 $0xA200  }
0xcb: {  	[tilespmem:s22], [sflag:$0x1] =	stream.indirect_vreg.gather [hbm4b:s3+s2], $0x80, v3, vm0, $0xb8;
	[tilespmem:$0x10200] =	vst v63  }
0xcc: {  	_ = 	snop  }
0xcd: {  	[tilespmem:s21], [sflag:$0x1] =	stream.indirect_vreg.gather [hbm4b:s5+s2], $0x80, v3, vm0, $0xb8;
	[tilespmem:$0x10200] =	vst v63  }
0xce: {  	s23 =	simm.s32 $0xB200  }
0xcf: {  	[tilespmem:s23], [sflag:$0x1] =	stream.indirect_vreg.gather [hbm4b:s6+s2], $0x80, v3, vm0, $0xb8;
	[tilespmem:$0x10200] =	vst v63  }
0xd0: {  	s22 =	simm.s32 $0xBA00  }
0xd1: {  	[tilespmem:s22], [sflag:$0x1] =	stream.indirect_vreg.gather [hbm4b:s7+s2], $0x80, v3, vm0, $0xb8;
	[tilespmem:$0x10200] =	vst v63  }
0xd2: {  	v3 =	vld [tilespmem:$0x190];
	_ =	sdelay $0x4  }
0xd3: {  	v63 =	vshll.u32 v3, $0x3  }
0xd4: {  	v3 =	vand.u32 $0x7, v3;
	v4 =	vand.u32 $0xFFFFFFC0, v63  }
0xd5: {  	v3 =	vor.u32 v3, v4  }
0xd6: {  	v4 =	vperm.xlane v3, v0;
	_ =	sdelay $0x1  }
0xd7: {  	v4 =	vadd.s32 v1, v4;
	_ =	sdelay $0x3  }
0xd8: {  	s23 =	simm.s32 $0xC200  }
0xd9: {  	[tilespmem:s23], [sflag:$0x1] =	stream.indirect_vreg.gather [hbm4b:s3+s2], $0x80, v4, vm0, $0xb8;
	[tilespmem:$0x10200] =	vst v63  }
0xda: {  	s22 =	simm.s32 $0xCA00;
	v3 =	vperm.xlane v3, v2  }
0xdb: {  	[tilespmem:s22], [sflag:$0x1] =	stream.indirect_vreg.gather [hbm4b:s5+s2], $0x80, v4, vm0, $0xb8;
	[tilespmem:$0x10200] =	vst v63  }
0xdc: {  	v3 =	vadd.s32 v1, v3;
	s23 =	simm.s32 $0xD200  }
0xdd: {  	[tilespmem:s23], [sflag:$0x1] =	stream.indirect_vreg.gather [hbm4b:s6+s2], $0x80, v4, vm0, $0xb8;
	[tilespmem:$0x10200] =	vst v63  }
0xde: {  	s22 =	simm.s32 $0xDA00  }
0xdf: {  	[tilespmem:s22], [sflag:$0x1] =	stream.indirect_vreg.gather [hbm4b:s7+s2], $0x80, v4, vm0, $0xb8;
	[tilespmem:$0x10200] =	vst v63  }
0xe0: {  	s23 =	simm.s32 $0xE200  }
0xe1: {  	[tilespmem:s23], [sflag:$0x1] =	stream.indirect_vreg.gather [hbm4b:s3+s2], $0x80, v3, vm0, $0xb8;
	[tilespmem:$0x10200] =	vst v63  }
0xe2: {  	s22 =	simm.s32 $0xEA00  }
0xe3: {  	[tilespmem:s22], [sflag:$0x1] =	stream.indirect_vreg.gather [hbm4b:s5+s2], $0x80, v3, vm0, $0xb8;
	[tilespmem:$0x10200] =	vst v63  }
0xe4: {  	s23 =	simm.s32 $0xF200  }
0xe5: {  	[tilespmem:s23], [sflag:$0x1] =	stream.indirect_vreg.gather [hbm4b:s6+s2], $0x80, v3, vm0, $0xb8;
	[tilespmem:$0x10200] =	vst v63  }
0xe6: {  	s22 =	simm.s32 $0xFA00  }
0xe7: {  	[tilespmem:s22], [sflag:$0x1] =	stream.indirect_vreg.gather [hbm4b:s7+s2], $0x80, v3, vm0, $0xb8;
	[tilespmem:$0x10200] =	vst v63  }
0xe8: {  	_ =	swait.ge [sflag:s26], $0x8000  }
0xe9: {  	[sflag:s26] =	ssyncset.done $0x0  }
0xea: {  	s23 =	rddreg [dreg:$0x9];
	[sflag:s26] =	ssyncadd.s32 $0xFFFF8000  }
0xeb: {  	[hbm4b:s23+s2] =	stream.linear.scatter [tilespmem:s20], [sflag:$0x3], $0x8000, $0x38;
	[tilespmem:$0x10200] =	vst v63  }
0xec: {  	p0 =	sne.s32 s8, $0x1;
	_ =	swait.ge [sflag:s0], $0x8000  }
.Ltmp0:
0xed: {  	[sflag:s0] =	ssyncset.done $0x0;
	(pc) =	sbr.rel @p0 .LBB2_1-.Ltmp0, $4  }
0xee: {  	[sflag:s0] =	ssyncadd.s32 $0xFFFF8000  }
0xef: {  	_ =	swait.ge [sflag:s1], $0x8000  }
0xf0: {  	[sflag:s1] =	ssyncset.done $0x0  }
0xf1: {  	s8 =	sadd.s32 $0xFFFFFFFF, s8;
	[sflag:s1] =	ssyncadd.s32 $0xFFFF8000  }
0xf2: {  	_ =	sfence.sel $0x180000  }
0xf3: {  	[bflag:$0x0] =	sbarrier.arrive $0xFFFF  }
0xf4: {  	_ =	strace $0x9000004A  }
0xf5: {  	s0 =	stileid.u32;
	[bflag:$0x2] =	sbarrier.arrive $0xFFFF  }
0xf6: {  	p0 =	sne.s32 s0, $0x0;
	s0 =	rddreg [dreg:$0x2]  }
0xf7: {  	s0 =	sadd.s32 @!p0 $0x100000, s0  }
0xf8: {  	[sflag:s0] =	ssyncadd.tile.s32 @!p0 $0x1;
	_ =	shalt  }
.Lfunc_end2:
_tile_overlayer_lowered:
.L_overlay_start_2:
0xf9: {  	(tag) =	ssettag $0x2  }
0xfa: {  	s0 =	rddreg [dreg:$0x0];
	s2 =	stileid.u32  }
0xfb: {  	s1 =	rddreg [dreg:$0x1];
	p0 =	sne.s32 s2, $0x0  }
0xfc: {  	s3 =	rddreg [dreg:$0x2];
	[bflag:$0x3] =	sbarrier.arrive $0xFFFF;
	s2 =	simm.s32 @!p0 $0x1C04  }
0xfd: {  	[timem:s3], [sflag:s2] =	dma.local @!p0 [hbm:s0], s1  }
0xfe: {  	s0 =	simm.s32 @!p0 $0x4  }
0xff: {  	_ =	swait.ge @!p0 [sflag:s0], s1  }
0x100: {  	s1 =	ssub.s32 @!p0 $0x0, s1;
	[sflag:s0] =	ssyncset.done @!p0 $0x0  }
0x101: {  	[sflag:s0] =	ssyncadd.s32 @!p0 s1  }
0x102: {  	[bflag:$0x3] =	sbarrier.arrive $0xFFFF  }
0x103: {  	_ =	shalt  }

// kernel: kernel.7.cloned.1.call-start
scs
__scs_entry_jumppad:
0x0: {  	(pc) =	sbr.rel $0x88, $3  }
0x1: {  	(tag) =	ssettag $0x0;
	lr =	simm.s32 $0x1  }
0x2: {  	[smem:$0x3F96] =	sst lr;
	_ =	strace $0xD0000000  }
0x3: {  	_ = 	snop  }
0x4: {  	_ = 	snop  }
0x5: {  	_ = 	snop  }
0x6: {  	_ = 	snop  }
0x7: {  	_ = 	snop  }
__scs_overlays_trampoline_lowered:
0x8: {  	[smem:$0x3FA5] =	sst s0  }
0x9: {  	[smem:$0x3FA6] =	sst s1  }
0xa: {  	[smem:$0x3FA7] =	sst s2  }
0xb: {  	[smem:$0x3FA8] =	sst s3  }
0xc: {  	[smem:$0x3FA9] =	sst s4  }
0xd: {  	[smem:$0x3FAA] =	sst s5  }
0xe: {  	[smem:$0x3FAB] =	sst s6  }
0xf: {  	[smem:$0x3FAC] =	sst s7  }
0x10: {  	[smem:$0x3FAD] =	sst s8  }
0x11: {  	[smem:$0x3FAE] =	sst s9;
	s0 =	simm.s32 @!p0 $0x0  }
0x12: {  	s1 =	sld [smem:$0x3F94];
	s0 =	simm.s32 @p0 $0x1  }
0x13: {  	[smem:$0x3FAF] =	sst s0;
	s0 =	simm.s32 @!p1 $0x0  }
0x14: {  	s2 =	sld [smem:$0x3F93];
	s0 =	simm.s32 @p1 $0x1  }
0x15: {  	[smem:$0x3FB0] =	sst s0;
	s0 =	simm.s32 @!p2 $0x0  }
0x16: {  	s3 =	sld [smem:$0x3FDB];
	s0 =	simm.s32 @p2 $0x1  }
0x17: {  	s4 =	simm.s32 $0x1BF5;
	[smem:$0x3FB2] =	sst s0  }
0x18: {  	s0 =	sld [smem:$0x3F95];
	_ =	swait.ge [sflag:s4], $0x0  }
0x19: {  	s7 =	sld [smem:$0x3F96]  }
0x1a: {  	s8 =	sadd.s32 $0xFFFFE003, lr  }
0x1b: {  	s9 =	sadd.s32 $0xFFFFFEF7, lr;
	s5 =	simm.s32 $0xFFFFFFFF;
	p2 =	slt.u32 s8, $0xFFFFF086  }
0x1c: {  	p1 =	slt.u32 s9, $0xF7A;
	s5 =	simm.s32 @!p2 $0x0  }
0x1d: {  	s5 =	simm.s32 @p1 $0x1;
	p0 =	seq.s32 s7, s2  }
0x1e: {  	s7 =	smul.u32 @!p0 $0xF7A, s2;
	p2 =	seq.s32 @!p0 s5, $0x0  }
0x1f: {  	s9 =	smul.u32 $0xF7A, s1;
	s8 =	simm.s32 @!p0 $0x1BF5;
	p2 =	por !p2, p0  }
0x20: {  	[sflag:s8] =	ssyncset.s32 @!p0 $0xFFFFF086;
	s6 =	sadd.s32 @!p0 s3, s7;
	s7 =	simm.s32 @!p0 $0x108  }
0x21: {  	s3 =	sadd.s32 s3, s9;
	s6 =	sadd.s32 @!p0 $0x88, s6;
	s7 =	simm.s32 @p2 $0x1082  }
0x22: {  	[simem:s7], [sflag:s8] =	dma.local @!p0 [hbm:s6], $0xF7A  }
0x23: {  	s9 =	sor.u32 $0xD0000000, s2;
	s6 =	simm.s32 $0x108;
	_ =	swait.ge @!p0 [sflag:s8], $0x0  }
0x24: {  	s3 =	sadd.s32 $0x88, s3;
	s6 =	simm.s32 @!p1 $0x1082;
	[sflag:s4] =	ssyncset.s32 $0xFFFFF086  }
0x25: {  	[simem:s6], [sflag:s4] =	dma.local [hbm:s3], $0xF7A  }
0x26: {  	[smem:$0x3F96] =	sst s1;
	(tag) =	ssettag s2;
	_ =	strace s9  }
0x27: {  	s1 =	sld [smem:$0x3FA6]  }
0x28: {  	s2 =	sld [smem:$0x3FA7]  }
0x29: {  	s4 =	sld [smem:$0x3FA9]  }
0x2a: {  	p0 =	seq.s32 s5, $0x0;
	s5 =	sld [smem:$0x3FAA]  }
0x2b: {  	s6 =	sld [smem:$0x3FAB]  }
0x2c: {  	s7 =	sld [smem:$0x3FAC]  }
0x2d: {  	s3 =	simm.s32 $0x108;
	s8 =	sld [smem:$0x3FAD]  }
0x2e: {  	s3 =	simm.s32 @!p0 $0x1082;
	s9 =	sld [smem:$0x3FAE]  }
0x2f: {  	lr =	sadd.s32 s0, s3;
	s0 =	sld [smem:$0x3FA5]  }
0x30: {  	s3 =	sld [smem:$0x3FA8]  }
0x31: {  	[smem:$0x3FB1] =	sst s10  }
0x32: {  	s10 =	sld [smem:$0x3FAF];
	_ =	sdelay $0x3  }
0x33: {  	p0 =	seq.s32 s10, $0x1;
	s10 =	sld [smem:$0x3FB1];
	_ =	sdelay $0x3  }
0x34: {  	[smem:$0x3FB1] =	sst s10  }
0x35: {  	s10 =	sld [smem:$0x3FB0];
	_ =	sdelay $0x3  }
0x36: {  	p1 =	seq.s32 s10, $0x1;
	s10 =	sld [smem:$0x3FB1];
	_ =	sdelay $0x3  }
0x37: {  	[smem:$0x3FB1] =	sst s10  }
0x38: {  	s10 =	sld [smem:$0x3FB2]  }
0x39: {  	_ = 	snop;
	(pc) =	sbr.ind lr, $3  }
0x3a: {  	_ = 	snop  }
0x3b: {  	_ = 	snop  }
0x3c: {  	p2 =	seq.s32 s10, $0x1;
	s10 =	sld [smem:$0x3FB1]  }
0x3d: {  	_ =	shalt  }
0x3e: {  	_ =	shalt  }
0x3f: {  	_ =	shalt  }
0x40: {  	_ =	shalt  }
0x41: {  	_ =	shalt  }
0x42: {  	_ =	shalt  }
0x43: {  	_ =	shalt  }
0x44: {  	_ =	shalt  }
0x45: {  	_ =	shalt  }
0x46: {  	_ =	shalt  }
0x47: {  	_ =	shalt  }
0x48: {  	_ =	shalt  }
0x49: {  	_ =	shalt  }
0x4a: {  	_ =	shalt  }
0x4b: {  	_ =	shalt  }
0x4c: {  	_ =	shalt  }
0x4d: {  	_ =	shalt  }
0x4e: {  	_ =	shalt  }
0x4f: {  	_ =	shalt  }
0x50: {  	_ =	shalt  }
0x51: {  	_ =	shalt  }
0x52: {  	_ =	shalt  }
0x53: {  	_ =	shalt  }
0x54: {  	_ =	shalt  }
0x55: {  	_ =	shalt  }
0x56: {  	_ =	shalt  }
0x57: {  	_ =	shalt  }
0x58: {  	_ =	shalt  }
0x59: {  	_ =	shalt  }
0x5a: {  	_ =	shalt  }
0x5b: {  	_ =	shalt  }
0x5c: {  	_ =	shalt  }
0x5d: {  	_ =	shalt  }
0x5e: {  	_ =	shalt  }
0x5f: {  	_ =	shalt  }
0x60: {  	_ =	shalt  }
0x61: {  	_ =	shalt  }
0x62: {  	_ =	shalt  }
0x63: {  	_ =	shalt  }
0x64: {  	_ =	shalt  }
0x65: {  	_ =	shalt  }
0x66: {  	_ =	shalt  }
0x67: {  	_ =	shalt  }
0x68: {  	_ =	shalt  }
0x69: {  	_ =	shalt  }
0x6a: {  	_ =	shalt  }
0x6b: {  	_ =	shalt  }
0x6c: {  	_ =	shalt  }
0x6d: {  	_ =	shalt  }
0x6e: {  	_ =	shalt  }
0x6f: {  	_ =	shalt  }
0x70: {  	_ =	shalt  }
0x71: {  	_ =	shalt  }
0x72: {  	_ =	shalt  }
0x73: {  	_ =	shalt  }
0x74: {  	_ =	shalt  }
0x75: {  	_ =	shalt  }
0x76: {  	_ =	shalt  }
0x77: {  	_ =	shalt  }
0x78: {  	_ =	shalt  }
0x79: {  	_ =	shalt  }
0x7a: {  	_ =	shalt  }
0x7b: {  	_ =	shalt  }
0x7c: {  	_ =	shalt  }
0x7d: {  	_ =	shalt  }
0x7e: {  	_ =	shalt  }
0x7f: {  	_ =	shalt  }
0x80: {  	_ =	shalt  }
0x81: {  	_ =	shalt  }
0x82: {  	_ =	shalt  }
0x83: {  	_ =	shalt  }
0x84: {  	_ =	shalt  }
0x85: {  	_ =	shalt  }
0x86: {  	_ =	shalt  }
0x87: {  	_ =	shalt  }
.Lfunc_end0:
.L_simem_size_0:
called_computation_lowered:
.L_overlay_start_0:
0x88: {  	s2 =	sld [smem:$0x3FD9]  }
0x89: {  	s3 =	sld [smem:$0x3FFE];
	_ =	sdelay $0x1  }
0x8a: {  	s1 =	srdreg.scid  }
0x8b: {  	s0 =	sand.u32 $0x1, s1  }
0x8c: {  	s17 =	sshll.u32 s0, $0xA;
	s2 =	sadd.s32 s3, s2  }
0x8d: {  	s2 =	sadd.s32 s2, s17  }
0x8e: {  	[smem:$0x3FBD] =	sst s2  }
0x8f: {  	_ = 	snop  }
0x90: {  	s2 =	sld [smem:$0x3FC9]  }
0x91: {  	s18 =	sld [smem:$0x3FD0];
	(tm) =	ssettm $0x1  }
0x92: {  	s4 =	sld [smem:$0x3FFB];
	_ =	sdelay $0x3  }
0x93: {  	_ =	strace s4  }
0x94: {  	s4 =	sld [smem:$0x3FFC];
	_ =	sdelay $0x3  }
0x95: {  	_ =	strace s4  }
0x96: {  	s4 =	sld [smem:$0x3FFD];
	_ =	sdelay $0x3  }
0x97: {  	_ =	strace s4  }
0x98: {  	_ =	strace $0x8FFFFFFF  }
0x99: {  	s19 =	sld [smem:$0x3FDB];
	_ =	sdelay $0x1  }
0x9a: {  	s5 =	simm.s32 $_scs_section_size  }
0x9b: {  	s6 =	simm.s32 $_size__tile_overlayer_lowered;
	s7 =	simm.s32 $_tile_overlayer_lowered  }
0x9c: {  	s22 =	simm.s32 $0x1BFF;
	s21 =	sshll.u32 s7, $0x1;
	s4 =	sadd.s32 s5, s19  }
0x9d: {  	s8 =	simm.s32 $0x0;
	s20 =	sshll.u32 s6, $0x1;
	s6 =	sadd.s32 s21, s4  }
0x9e: {  	[timem:s8], [sflag:s22] =	dma.local [hbm:s6], s20  }
0x9f: {  	_ =	swait.ge [sflag:s22], s20  }
0xa0: {  	s5 =	ssub.s32 $0x0, s20;
	[sflag:s22] =	ssyncset.done $0x0  }
0xa1: {  	[sflag:s22] =	ssyncadd.s32 s5;
	_ =	sdelay $0x1  }
0xa2: {  	s23 =	simm.s32 $0x1B8B  }
0xa3: {  	_ =	swait.ge [sflag:s23], $0x1  }
0xa4: {  	[sflag:s23] =	ssyncset.done $0x0  }
0xa5: {  	s25 =	simm.s32 $0x1B8E;
	s24 =	sld [smem:$0x3FFE];
	[sflag:s23] =	ssyncadd.s32 $0xFFFFFFFF  }
0xa6: {  	s26 =	simm.s32 $execute0_lowered;
	[smem:$0x3FD2] =	sst s25  }
0xa7: {  	s6 =	sshll.u32 s26, $0x1;
	_ =	strace $0x80000046;
	[dreg:$0x1] =	wrdreg $0xFFFFFFFF  }
0xa8: {  	s28 =	simm.s32 $_size_execute0_lowered;
	s4 =	sadd.s32 s4, s6;
	[dreg:$0x0] =	wrdreg $0x0  }
0xa9: {  	s6 =	sshll.u32 s28, $0x1;
	[dreg:$0x2] =	wrdreg s4  }
0xaa: {  	[dreg:$0x3] =	wrdreg s6  }
0xab: {  	[dreg:$0x4] =	wrdreg $0xC0  }
0xac: {  	_ =	task [dreg:s8], $0x5FFFF  }
0xad: {  	[dreg:$0x1] =	wrdreg $0xFFFFFFFF  }
0xae: {  	[dreg:$0x0] =	wrdreg $0x60  }
0xaf: {  	[dreg:$0x2] =	wrdreg s2  }
0xb0: {  	[dreg:$0x3] =	wrdreg s18  }
0xb1: {  	[dreg:$0x4] =	wrdreg s24  }
0xb2: {  	[dreg:$0x5] =	wrdreg $0x9  }
0xb3: {  	_ =	task.clear_ibuf [dreg:s8], $0x6FFFF;
	_ =	strace $0x90000046  }
0xb4: {  	s29 =	simm.s32 $0x9;
	_ =	strace $0x80000048  }
0xb5: {  	_ =	swait.ge [sflag:s29], $0x1  }
0xb6: {  	[sflag:s29] =	ssyncadd.s32 $0xFFFFFFFF  }
0xb7: {  	_ =	strace $0x90000048  }
0xb8: {  	_ =	sfence  }
0xb9: {  	s30 =	sld [smem:$0x0];
	_ =	sdelay $0x2  }
0xba: {  	s31 =	sshll.u32 s1, $0xD;
	s1 =	sshrl.u32 s1, $0x2  }
0xbb: {  	s3 =	sand.u32 $0x4000, s31;
	s1 =	sadd.s32 s1, s30  }
0xbc: {  	s0 =	sor.u32 s3, s0;
	s1 =	sshll.u32 s1, $0x11  }
0xbd: {  	s0 =	sor.u32 s1, s0  }
0xbe: {  	s0 =	sadd.s32 $0x8F2B, s0  }
0xbf: {  	[sflag:s0] =	ssyncadd.remote.s32 $0x1  }
0xc0: {  	_ =	sfence.sel $0xFFFF  }
0xc1: {  	[dreg:$0x0] =	wrdreg $0xFFFFFFFF;
	(pc) =	sbr.abs _section_cstart, $3  }
0xc2: {  	[dreg:$0x1] =	wrdreg $0xFFFFFFFF  }
0xc3: {  	_ =	task.clear_ibuf [dreg:s8], $0x2FFFF;
	_ =	strace $0x9FFFFFFF  }
0xc4: {  	(tm) =	ssettm $0x7FFFFFFF  }
0xc5: {  	_ =	shalt  }
tec
execute0_lowered:
.L_overlay_start_1:
0x0: {  	(tag) =	ssettag $0x1  }
0x1: {  	s0 =	rddreg [dreg:$0x0]  }
0x2: {  	s1 =	srdreg.scid;
	s4 =	rddreg [dreg:$0x1]  }
0x3: {  	s2 =	stileid.u32;
	s6 =	rddreg [dreg:$0x2]  }
0x4: {  	s26 =	simm.s32 $0x80;
	s10 =	simm.s32 $0x100;
	s28 =	simm.s32 $0x3900  }
0x5: {  	s29 =	simm.s32 $0x4100;
	s30 =	simm.s32 $0x4900;
	s31 =	simm.s32 $0x5100  }
0x6: {  	s11 =	simm.s32 $0x6900;
	s12 =	simm.s32 $0x7100;
	s13 =	simm.s32 $0x7900  }
0x7: {  	s14 =	simm.s32 $0x8100;
	s15 =	simm.s32 $0x8900;
	s16 =	simm.s32 $0x9100  }
0x8: {  	s17 =	simm.s32 $0x9900;
	s18 =	simm.s32 $0xA100;
	s19 =	simm.s32 $0xA900  }
0x9: {  	s9 =	simm.s32 $0xB900;
	s20 =	simm.s32 $0xC100;
	s1 =	sand.u32 $0x1, s1  }
0xa: {  	s3 =	sshll.u32 s2, $0x7;
	s2 =	simm.s32 $0x0;
	s5 =	sshll.u32 s1, $0x6  }
0xb: {  	[smem:$0x7FF] =	sst s2;
	s1 =	ssub.s32 $0x2, s1;
	s3 =	sor.u32 s5, s3  }
0xc: {  	_ =	strace $0x80000047;
	s23 =	sshrl.u32 s1, $0x1;
	[dreg:$0x7] =	wrdreg s26  }
0xd: {  	s26 =	simm.s32 $0x3100;
	s5 =	sshrl.u32 s3, $0x3;
	s8 =	sshll.u32 s3, $0x7  }
0xe: {  	s3 =	sadd.s32 $0x2E00, s6;
	s1 =	ssub.s32 s1, s23;
	s23 =	simm.s32 $0x1900  }
0xf: {  	s7 =	sadd.s32 s5, s6;
	s0 =	sadd.s32 s0, s8;
	s24 =	sadd.s32 s4, s5  }
0x10: {  	s4 =	sadd.s32 $0x2F00, s6;
	s5 =	sadd.s32 $0x3000, s6;
	[dreg:$0x4] =	wrdreg s0  }
0x11: {  	v2 =	vlaneseq.u32;
	s6 =	sadd.s32 $0x3100, s6;
	s8 =	simm.s32 $0xB100;
	[dreg:$0x5] =	wrdreg s24  }
0x12: {  	vm0 =	vmmov $0xffff;
	v1 =	vshrl.u32 v2, $0x3;
	s25 =	sadd.s32 $0x2C00, s7;
	s7 =	smax.u32 s1, $0x1;
	s24 =	simm.s32 $0x2100  }
0x13: {  	v0 =	vand.u32 $0x7, v2;
	v2 =	vor.u32 $0x8, v2;
	v1 =	vmul.u32 $0x8, v1;
	s1 =	simm.s32 $0x5900;
	[dreg:$0x6] =	wrdreg s25;
	s25 =	simm.s32 $0x2900  }
.LBB2_1:
0x14: {  	s21 =	rddreg [dreg:$0x4]  }
0x15: {  	[tilespmem:s10], [sflag:$0x2] =	stream.linear.gather [hbm4b:s21+s2], $0x10000, $0x38;
	[tilespmem:$0x10100] =	vst v63  }
0x16: {  	s22 =	rddreg [dreg:$0x5];
	s0 =	simm.s32 $0x3  }
0x17: {  	[tilespmem:s2], [sflag:$0x3] =	stream.linear.gather [hbm4b:s22+s2], $0x40, $0x38;
	[tilespmem:$0x10100] =	vst v63  }
0x18: {  	_ =	swait.ge [sflag:s0], $0x40  }
0x19: {  	s21 =	rddreg [dreg:$0x6];
	[sflag:s0] =	ssyncset.done $0x0  }
0x1a: {  	s22 =	rddreg [dreg:$0x7];
	[sflag:s0] =	ssyncadd.s32 $0xFFFFFFC0  }
0x1b: {  	[tilespmem:s22], [sflag:$0x3] =	stream.linear.gather [hbm4b:s21+s2], $0x40, $0x38;
	[tilespmem:$0x10100] =	vst v63  }
0x1c: {  	_ =	swait.ge [sflag:s0], $0x40  }
0x1d: {  	[sflag:s0] =	ssyncset.done $0x0  }
0x1e: {  	s21 =	simm.s32 $0x2;
	[sflag:s0] =	ssyncadd.s32 $0xFFFFFFC0  }
0x1f: {  	_ =	swait.ge [sflag:s21], $0x10000  }
0x20: {  	[sflag:s21] =	ssyncset.done $0x0  }
0x21: {  	[sflag:s21] =	ssyncadd.s32 $0xFFFF0000  }
0x22: {  	v3 =	vld [tilespmem:$0x0];
	_ =	sdelay $0x4  }
0x23: {  	v4 =	vshll.u32 v3, $0x3  }
0x24: {  	v3 =	vand.u32 $0x7, v3;
	v4 =	vand.u32 $0xFFFFFFC0, v4  }
0x25: {  	v3 =	vor.u32 v3, v4  }
0x26: {  	v4 =	vperm.xlane v3, v0;
	_ =	sdelay $0x1  }
0x27: {  	v4 =	vadd.s32 v1, v4;
	_ =	sdelay $0x4  }
0x28: {  	[hbm4b:s3+s2] =	stream.indirect_vreg.scatter [tilespmem:s10], [sflag:$0x1], $0x80, v4, vm0, $0xb8;
	[tilespmem:$0x10100] =	vst v63  }
0x29: {  	s21 =	simm.s32 $0x900;
	v3 =	vperm.xlane v3, v2  }
0x2a: {  	[hbm4b:s4+s2] =	stream.indirect_vreg.scatter [tilespmem:s21], [sflag:$0x1], $0x80, v4, vm0, $0xb8;
	[tilespmem:$0x10100] =	vst v63  }
0x2b: {  	s22 =	simm.s32 $0x1100;
	v3 =	vadd.s32 v1, v3  }
0x2c: {  	[hbm4b:s5+s2] =	stream.indirect_vreg.scatter [tilespmem:s22], [sflag:$0x1], $0x80, v4, vm0, $0xb8;
	[tilespmem:$0x10100] =	vst v63  }
0x2d: {  	_ = 	snop  }
0x2e: {  	[hbm4b:s6+s2] =	stream.indirect_vreg.scatter [tilespmem:s23], [sflag:$0x1], $0x80, v4, vm0, $0xb8;
	[tilespmem:$0x10100] =	vst v63  }
0x2f: {  	_ = 	snop  }
0x30: {  	[hbm4b:s3+s2] =	stream.indirect_vreg.scatter [tilespmem:s24], [sflag:$0x1], $0x80, v3, vm0, $0xb8;
	[tilespmem:$0x10100] =	vst v63  }
0x31: {  	_ = 	snop  }
0x32: {  	[hbm4b:s4+s2] =	stream.indirect_vreg.scatter [tilespmem:s25], [sflag:$0x1], $0x80, v3, vm0, $0xb8;
	[tilespmem:$0x10100] =	vst v63  }
0x33: {  	_ = 	snop  }
0x34: {  	[hbm4b:s5+s2] =	stream.indirect_vreg.scatter [tilespmem:s26], [sflag:$0x1], $0x80, v3, vm0, $0xb8;
	[tilespmem:$0x10100] =	vst v63  }
0x35: {  	_ = 	snop  }
0x36: {  	[hbm4b:s6+s2] =	stream.indirect_vreg.scatter [tilespmem:s28], [sflag:$0x1], $0x80, v3, vm0, $0xb8;
	[tilespmem:$0x10100] =	vst v63  }
0x37: {  	v3 =	vld [tilespmem:$0x10];
	_ =	sdelay $0x4  }
0x38: {  	v57 =	vshll.u32 v3, $0x3  }
0x39: {  	v3 =	vand.u32 $0x7, v3;
	v4 =	vand.u32 $0xFFFFFFC0, v57  }
0x3a: {  	v3 =	vor.u32 v3, v4  }
0x3b: {  	v4 =	vperm.xlane v3, v0;
	_ =	sdelay $0x1  }
0x3c: {  	v4 =	vadd.s32 v1, v4;
	_ =	sdelay $0x4  }
0x3d: {  	[hbm4b:s3+s2] =	stream.indirect_vreg.scatter [tilespmem:s29], [sflag:$0x1], $0x80, v4, vm0, $0xb8;
	[tilespmem:$0x10100] =	vst v63  }
0x3e: {  	v3 =	vperm.xlane v3, v2  }
0x3f: {  	[hbm4b:s4+s2] =	stream.indirect_vreg.scatter [tilespmem:s30], [sflag:$0x1], $0x80, v4, vm0, $0xb8;
	[tilespmem:$0x10100] =	vst v63  }
0x40: {  	v3 =	vadd.s32 v1, v3  }
0x41: {  	[hbm4b:s5+s2] =	stream.indirect_vreg.scatter [tilespmem:s31], [sflag:$0x1], $0x80, v4, vm0, $0xb8;
	[tilespmem:$0x10100] =	vst v63  }
0x42: {  	_ = 	snop  }
0x43: {  	[hbm4b:s6+s2] =	stream.indirect_vreg.scatter [tilespmem:s1], [sflag:$0x1], $0x80, v4, vm0, $0xb8;
	[tilespmem:$0x10100] =	vst v63  }
0x44: {  	s0 =	simm.s32 $0x6100  }
0x45: {  	[hbm4b:s3+s2] =	stream.indirect_vreg.scatter [tilespmem:s0], [sflag:$0x1], $0x80, v3, vm0, $0xb8;
	[tilespmem:$0x10100] =	vst v63  }
0x46: {  	_ = 	snop  }
0x47: {  	[hbm4b:s4+s2] =	stream.indirect_vreg.scatter [tilespmem:s11], [sflag:$0x1], $0x80, v3, vm0, $0xb8;
	[tilespmem:$0x10100] =	vst v63  }
0x48: {  	_ = 	snop  }
0x49: {  	[hbm4b:s5+s2] =	stream.indirect_vreg.scatter [tilespmem:s12], [sflag:$0x1], $0x80, v3, vm0, $0xb8;
	[tilespmem:$0x10100] =	vst v63  }
0x4a: {  	_ = 	snop  }
0x4b: {  	[hbm4b:s6+s2] =	stream.indirect_vreg.scatter [tilespmem:s13], [sflag:$0x1], $0x80, v3, vm0, $0xb8;
	[tilespmem:$0x10100] =	vst v63  }
0x4c: {  	v3 =	vld [tilespmem:$0x20];
	_ =	sdelay $0x4  }
0x4d: {  	v58 =	vshll.u32 v3, $0x3  }
0x4e: {  	v3 =	vand.u32 $0x7, v3;
	v4 =	vand.u32 $0xFFFFFFC0, v58  }
0x4f: {  	v3 =	vor.u32 v3, v4  }
0x50: {  	v4 =	vperm.xlane v3, v0;
	_ =	sdelay $0x1  }
0x51: {  	v4 =	vadd.s32 v1, v4;
	_ =	sdelay $0x4  }
0x52: {  	[hbm4b:s3+s2] =	stream.indirect_vreg.scatter [tilespmem:s14], [sflag:$0x1], $0x80, v4, vm0, $0xb8;
	[tilespmem:$0x10100] =	vst v63  }
0x53: {  	v3 =	vperm.xlane v3, v2  }
0x54: {  	[hbm4b:s4+s2] =	stream.indirect_vreg.scatter [tilespmem:s15], [sflag:$0x1], $0x80, v4, vm0, $0xb8;
	[tilespmem:$0x10100] =	vst v63  }
0x55: {  	v3 =	vadd.s32 v1, v3  }
0x56: {  	[hbm4b:s5+s2] =	stream.indirect_vreg.scatter [tilespmem:s16], [sflag:$0x1], $0x80, v4, vm0, $0xb8;
	[tilespmem:$0x10100] =	vst v63  }
0x57: {  	_ = 	snop  }
0x58: {  	[hbm4b:s6+s2] =	stream.indirect_vreg.scatter [tilespmem:s17], [sflag:$0x1], $0x80, v4, vm0, $0xb8;
	[tilespmem:$0x10100] =	vst v63  }
0x59: {  	_ = 	snop  }
0x5a: {  	[hbm4b:s3+s2] =	stream.indirect_vreg.scatter [tilespmem:s18], [sflag:$0x1], $0x80, v3, vm0, $0xb8;
	[tilespmem:$0x10100] =	vst v63  }
0x5b: {  	_ = 	snop  }
0x5c: {  	[hbm4b:s4+s2] =	stream.indirect_vreg.scatter [tilespmem:s19], [sflag:$0x1], $0x80, v3, vm0, $0xb8;
	[tilespmem:$0x10100] =	vst v63  }
0x5d: {  	_ = 	snop  }
0x5e: {  	[hbm4b:s5+s2] =	stream.indirect_vreg.scatter [tilespmem:s8], [sflag:$0x1], $0x80, v3, vm0, $0xb8;
	[tilespmem:$0x10100] =	vst v63  }
0x5f: {  	_ = 	snop  }
0x60: {  	[hbm4b:s6+s2] =	stream.indirect_vreg.scatter [tilespmem:s9], [sflag:$0x1], $0x80, v3, vm0, $0xb8;
	[tilespmem:$0x10100] =	vst v63  }
0x61: {  	v3 =	vld [tilespmem:$0x30];
	_ =	sdelay $0x4  }
0x62: {  	v59 =	vshll.u32 v3, $0x3  }
0x63: {  	v3 =	vand.u32 $0x7, v3;
	v4 =	vand.u32 $0xFFFFFFC0, v59  }
0x64: {  	v3 =	vor.u32 v3, v4  }
0x65: {  	v4 =	vperm.xlane v3, v0;
	_ =	sdelay $0x1  }
0x66: {  	v4 =	vadd.s32 v1, v4;
	_ =	sdelay $0x4  }
0x67: {  	[hbm4b:s3+s2] =	stream.indirect_vreg.scatter [tilespmem:s20], [sflag:$0x1], $0x80, v4, vm0, $0xb8;
	[tilespmem:$0x10100] =	vst v63  }
0x68: {  	s0 =	simm.s32 $0xC900;
	v3 =	vperm.xlane v3, v2  }
0x69: {  	[hbm4b:s4+s2] =	stream.indirect_vreg.scatter [tilespmem:s0], [sflag:$0x1], $0x80, v4, vm0, $0xb8;
	[tilespmem:$0x10100] =	vst v63  }
0x6a: {  	v3 =	vadd.s32 v1, v3;
	s0 =	simm.s32 $0xD100  }
0x6b: {  	[hbm4b:s5+s2] =	stream.indirect_vreg.scatter [tilespmem:s0], [sflag:$0x1], $0x80, v4, vm0, $0xb8;
	[tilespmem:$0x10100] =	vst v63  }
0x6c: {  	s0 =	simm.s32 $0xD900  }
0x6d: {  	[hbm4b:s6+s2] =	stream.indirect_vreg.scatter [tilespmem:s0], [sflag:$0x1], $0x80, v4, vm0, $0xb8;
	[tilespmem:$0x10100] =	vst v63  }
0x6e: {  	s0 =	simm.s32 $0xE100  }
0x6f: {  	[hbm4b:s3+s2] =	stream.indirect_vreg.scatter [tilespmem:s0], [sflag:$0x1], $0x80, v3, vm0, $0xb8;
	[tilespmem:$0x10100] =	vst v63  }
0x70: {  	s0 =	simm.s32 $0xE900  }
0x71: {  	[hbm4b:s4+s2] =	stream.indirect_vreg.scatter [tilespmem:s0], [sflag:$0x1], $0x80, v3, vm0, $0xb8;
	[tilespmem:$0x10100] =	vst v63  }
0x72: {  	s0 =	simm.s32 $0xF100  }
0x73: {  	[hbm4b:s5+s2] =	stream.indirect_vreg.scatter [tilespmem:s0], [sflag:$0x1], $0x80, v3, vm0, $0xb8;
	[tilespmem:$0x10100] =	vst v63  }
0x74: {  	s0 =	simm.s32 $0xF900  }
0x75: {  	[hbm4b:s6+s2] =	stream.indirect_vreg.scatter [tilespmem:s0], [sflag:$0x1], $0x80, v3, vm0, $0xb8;
	[tilespmem:$0x10100] =	vst v63  }
0x76: {  	v3 =	vld [tilespmem:$0x80];
	_ =	sdelay $0x4  }
0x77: {  	v60 =	vshll.u32 v3, $0x3  }
0x78: {  	v3 =	vand.u32 $0x7, v3;
	v4 =	vand.u32 $0xFFFFFFC0, v60  }
0x79: {  	v3 =	vor.u32 v3, v4  }
0x7a: {  	v4 =	vperm.xlane v3, v0;
	_ =	sdelay $0x1  }
0x7b: {  	v4 =	vadd.s32 v1, v4;
	_ =	sdelay $0x4  }
0x7c: {  	[hbm4b:s3+s2] =	stream.indirect_vreg.scatter [tilespmem:s10], [sflag:$0x1], $0x80, v4, vm0, $0xb8;
	[tilespmem:$0x10100] =	vst v63  }
0x7d: {  	v3 =	vperm.xlane v3, v2  }
0x7e: {  	[hbm4b:s4+s2] =	stream.indirect_vreg.scatter [tilespmem:s21], [sflag:$0x1], $0x80, v4, vm0, $0xb8;
	[tilespmem:$0x10100] =	vst v63  }
0x7f: {  	v3 =	vadd.s32 v1, v3  }
0x80: {  	[hbm4b:s5+s2] =	stream.indirect_vreg.scatter [tilespmem:s22], [sflag:$0x1], $0x80, v4, vm0, $0xb8;
	[tilespmem:$0x10100] =	vst v63  }
0x81: {  	_ = 	snop  }
0x82: {  	[hbm4b:s6+s2] =	stream.indirect_vreg.scatter [tilespmem:s23], [sflag:$0x1], $0x80, v4, vm0, $0xb8;
	[tilespmem:$0x10100] =	vst v63  }
0x83: {  	_ = 	snop  }
0x84: {  	[hbm4b:s3+s2] =	stream.indirect_vreg.scatter [tilespmem:s24], [sflag:$0x1], $0x80, v3, vm0, $0xb8;
	[tilespmem:$0x10100] =	vst v63  }
0x85: {  	_ = 	snop  }
0x86: {  	[hbm4b:s4+s2] =	stream.indirect_vreg.scatter [tilespmem:s25], [sflag:$0x1], $0x80, v3, vm0, $0xb8;
	[tilespmem:$0x10100] =	vst v63  }
0x87: {  	_ = 	snop  }
0x88: {  	[hbm4b:s5+s2] =	stream.indirect_vreg.scatter [tilespmem:s26], [sflag:$0x1], $0x80, v3, vm0, $0xb8;
	[tilespmem:$0x10100] =	vst v63  }
0x89: {  	_ = 	snop  }
0x8a: {  	[hbm4b:s6+s2] =	stream.indirect_vreg.scatter [tilespmem:s28], [sflag:$0x1], $0x80, v3, vm0, $0xb8;
	[tilespmem:$0x10100] =	vst v63  }
0x8b: {  	v3 =	vld [tilespmem:$0x90];
	_ =	sdelay $0x4  }
0x8c: {  	v61 =	vshll.u32 v3, $0x3  }
0x8d: {  	v3 =	vand.u32 $0x7, v3;
	v4 =	vand.u32 $0xFFFFFFC0, v61  }
0x8e: {  	v3 =	vor.u32 v3, v4  }
0x8f: {  	v4 =	vperm.xlane v3, v0;
	_ =	sdelay $0x1  }
0x90: {  	v4 =	vadd.s32 v1, v4;
	_ =	sdelay $0x4  }
0x91: {  	[hbm4b:s3+s2] =	stream.indirect_vreg.scatter [tilespmem:s29], [sflag:$0x1], $0x80, v4, vm0, $0xb8;
	[tilespmem:$0x10100] =	vst v63  }
0x92: {  	v3 =	vperm.xlane v3, v2  }
0x93: {  	[hbm4b:s4+s2] =	stream.indirect_vreg.scatter [tilespmem:s30], [sflag:$0x1], $0x80, v4, vm0, $0xb8;
	[tilespmem:$0x10100] =	vst v63  }
0x94: {  	v3 =	vadd.s32 v1, v3  }
0x95: {  	[hbm4b:s5+s2] =	stream.indirect_vreg.scatter [tilespmem:s31], [sflag:$0x1], $0x80, v4, vm0, $0xb8;
	[tilespmem:$0x10100] =	vst v63  }
0x96: {  	_ = 	snop  }
0x97: {  	[hbm4b:s6+s2] =	stream.indirect_vreg.scatter [tilespmem:s1], [sflag:$0x1], $0x80, v4, vm0, $0xb8;
	[tilespmem:$0x10100] =	vst v63  }
0x98: {  	s22 =	simm.s32 $0x6100  }
0x99: {  	[hbm4b:s3+s2] =	stream.indirect_vreg.scatter [tilespmem:s22], [sflag:$0x1], $0x80, v3, vm0, $0xb8;
	[tilespmem:$0x10100] =	vst v63  }
0x9a: {  	_ = 	snop  }
0x9b: {  	[hbm4b:s4+s2] =	stream.indirect_vreg.scatter [tilespmem:s11], [sflag:$0x1], $0x80, v3, vm0, $0xb8;
	[tilespmem:$0x10100] =	vst v63  }
0x9c: {  	_ = 	snop  }
0x9d: {  	[hbm4b:s5+s2] =	stream.indirect_vreg.scatter [tilespmem:s12], [sflag:$0x1], $0x80, v3, vm0, $0xb8;
	[tilespmem:$0x10100] =	vst v63  }
0x9e: {  	_ = 	snop  }
0x9f: {  	[hbm4b:s6+s2] =	stream.indirect_vreg.scatter [tilespmem:s13], [sflag:$0x1], $0x80, v3, vm0, $0xb8;
	[tilespmem:$0x10100] =	vst v63  }
0xa0: {  	v3 =	vld [tilespmem:$0xA0];
	_ =	sdelay $0x4  }
0xa1: {  	v62 =	vshll.u32 v3, $0x3  }
0xa2: {  	v3 =	vand.u32 $0x7, v3;
	v4 =	vand.u32 $0xFFFFFFC0, v62  }
0xa3: {  	v3 =	vor.u32 v3, v4  }
0xa4: {  	v4 =	vperm.xlane v3, v0;
	_ =	sdelay $0x1  }
0xa5: {  	v4 =	vadd.s32 v1, v4;
	_ =	sdelay $0x4  }
0xa6: {  	[hbm4b:s3+s2] =	stream.indirect_vreg.scatter [tilespmem:s14], [sflag:$0x1], $0x80, v4, vm0, $0xb8;
	[tilespmem:$0x10100] =	vst v63  }
0xa7: {  	v3 =	vperm.xlane v3, v2  }
0xa8: {  	[hbm4b:s4+s2] =	stream.indirect_vreg.scatter [tilespmem:s15], [sflag:$0x1], $0x80, v4, vm0, $0xb8;
	[tilespmem:$0x10100] =	vst v63  }
0xa9: {  	v3 =	vadd.s32 v1, v3  }
0xaa: {  	[hbm4b:s5+s2] =	stream.indirect_vreg.scatter [tilespmem:s16], [sflag:$0x1], $0x80, v4, vm0, $0xb8;
	[tilespmem:$0x10100] =	vst v63  }
0xab: {  	_ = 	snop  }
0xac: {  	[hbm4b:s6+s2] =	stream.indirect_vreg.scatter [tilespmem:s17], [sflag:$0x1], $0x80, v4, vm0, $0xb8;
	[tilespmem:$0x10100] =	vst v63  }
0xad: {  	_ = 	snop  }
0xae: {  	[hbm4b:s3+s2] =	stream.indirect_vreg.scatter [tilespmem:s18], [sflag:$0x1], $0x80, v3, vm0, $0xb8;
	[tilespmem:$0x10100] =	vst v63  }
0xaf: {  	_ = 	snop  }
0xb0: {  	[hbm4b:s4+s2] =	stream.indirect_vreg.scatter [tilespmem:s19], [sflag:$0x1], $0x80, v3, vm0, $0xb8;
	[tilespmem:$0x10100] =	vst v63  }
0xb1: {  	_ = 	snop  }
0xb2: {  	[hbm4b:s5+s2] =	stream.indirect_vreg.scatter [tilespmem:s8], [sflag:$0x1], $0x80, v3, vm0, $0xb8;
	[tilespmem:$0x10100] =	vst v63  }
0xb3: {  	_ = 	snop  }
0xb4: {  	[hbm4b:s6+s2] =	stream.indirect_vreg.scatter [tilespmem:s9], [sflag:$0x1], $0x80, v3, vm0, $0xb8;
	[tilespmem:$0x10100] =	vst v63  }
0xb5: {  	v3 =	vld [tilespmem:$0xB0];
	_ =	sdelay $0x4  }
0xb6: {  	v63 =	vshll.u32 v3, $0x3  }
0xb7: {  	v3 =	vand.u32 $0x7, v3;
	v4 =	vand.u32 $0xFFFFFFC0, v63  }
0xb8: {  	v3 =	vor.u32 v3, v4  }
0xb9: {  	v4 =	vperm.xlane v3, v0;
	_ =	sdelay $0x1  }
0xba: {  	v4 =	vadd.s32 v1, v4;
	_ =	sdelay $0x4  }
0xbb: {  	[hbm4b:s3+s2] =	stream.indirect_vreg.scatter [tilespmem:s20], [sflag:$0x1], $0x80, v4, vm0, $0xb8;
	[tilespmem:$0x10100] =	vst v63  }
0xbc: {  	s21 =	simm.s32 $0xC900;
	v3 =	vperm.xlane v3, v2  }
0xbd: {  	[hbm4b:s4+s2] =	stream.indirect_vreg.scatter [tilespmem:s21], [sflag:$0x1], $0x80, v4, vm0, $0xb8;
	[tilespmem:$0x10100] =	vst v63  }
0xbe: {  	s22 =	simm.s32 $0xD100;
	v3 =	vadd.s32 v1, v3  }
0xbf: {  	[hbm4b:s5+s2] =	stream.indirect_vreg.scatter [tilespmem:s22], [sflag:$0x1], $0x80, v4, vm0, $0xb8;
	[tilespmem:$0x10100] =	vst v63  }
0xc0: {  	s21 =	simm.s32 $0xD900  }
0xc1: {  	[hbm4b:s6+s2] =	stream.indirect_vreg.scatter [tilespmem:s21], [sflag:$0x1], $0x80, v4, vm0, $0xb8;
	[tilespmem:$0x10100] =	vst v63  }
0xc2: {  	s22 =	simm.s32 $0xE100  }
0xc3: {  	[hbm4b:s3+s2] =	stream.indirect_vreg.scatter [tilespmem:s22], [sflag:$0x1], $0x80, v3, vm0, $0xb8;
	[tilespmem:$0x10100] =	vst v63  }
0xc4: {  	s21 =	simm.s32 $0xE900  }
0xc5: {  	[hbm4b:s4+s2] =	stream.indirect_vreg.scatter [tilespmem:s21], [sflag:$0x1], $0x80, v3, vm0, $0xb8;
	[tilespmem:$0x10100] =	vst v63  }
0xc6: {  	s22 =	simm.s32 $0xF100  }
0xc7: {  	[hbm4b:s5+s2] =	stream.indirect_vreg.scatter [tilespmem:s22], [sflag:$0x1], $0x80, v3, vm0, $0xb8;
	[tilespmem:$0x10100] =	vst v63  }
0xc8: {  	s21 =	simm.s32 $0xF900;
	s22 =	simm.s32 $0x1  }
0xc9: {  	[hbm4b:s6+s2] =	stream.indirect_vreg.scatter [tilespmem:s21], [sflag:$0x1], $0x80, v3, vm0, $0xb8;
	[tilespmem:$0x10100] =	vst v63  }
0xca: {  	p0 =	sne.s32 s7, $0x1;
	_ =	swait.ge [sflag:s22], $0x10000  }
.Ltmp0:
0xcb: {  	[sflag:s22] =	ssyncset.done $0x0;
	(pc) =	sbr.rel @p0 .LBB2_1-.Ltmp0, $4  }
0xcc: {  	[sflag:s22] =	ssyncadd.s32 $0xFFFF0000  }
0xcd: {  	_ =	swait.ge [sflag:s22], $0x10000  }
0xce: {  	[sflag:s22] =	ssyncset.done $0x0  }
0xcf: {  	s7 =	sadd.s32 $0xFFFFFFFF, s7;
	[sflag:s22] =	ssyncadd.s32 $0xFFFF0000  }
0xd0: {  	_ =	sfence.sel $0x180000  }
0xd1: {  	[bflag:$0x0] =	sbarrier.arrive $0xFFFF  }
0xd2: {  	_ =	strace $0x90000047  }
0xd3: {  	s0 =	stileid.u32;
	[bflag:$0x2] =	sbarrier.arrive $0xFFFF  }
0xd4: {  	p0 =	sne.s32 s0, $0x0;
	s0 =	rddreg [dreg:$0x3]  }
0xd5: {  	s0 =	sadd.s32 @!p0 $0x100000, s0  }
0xd6: {  	[sflag:s0] =	ssyncadd.tile.s32 @!p0 $0x1;
	_ =	shalt  }
.Lfunc_end2:
_tile_overlayer_lowered:
.L_overlay_start_2:
0xd7: {  	(tag) =	ssettag $0x2  }
0xd8: {  	s0 =	rddreg [dreg:$0x0];
	s2 =	stileid.u32  }
0xd9: {  	s1 =	rddreg [dreg:$0x1];
	p0 =	sne.s32 s2, $0x0  }
0xda: {  	s3 =	rddreg [dreg:$0x2];
	[bflag:$0x3] =	sbarrier.arrive $0xFFFF;
	s2 =	simm.s32 @!p0 $0x1C03  }
0xdb: {  	[timem:s3], [sflag:s2] =	dma.local @!p0 [hbm:s0], s1  }
0xdc: {  	s0 =	simm.s32 @!p0 $0x3  }
0xdd: {  	_ =	swait.ge @!p0 [sflag:s0], s1  }
0xde: {  	s1 =	ssub.s32 @!p0 $0x0, s1;
	[sflag:s0] =	ssyncset.done @!p0 $0x0  }
0xdf: {  	[sflag:s0] =	ssyncadd.s32 @!p0 s1  }
0xe0: {  	[bflag:$0x3] =	sbarrier.arrive $0xFFFF  }
0xe1: {  	_ =	shalt  }

</sc_bundles>
